<compile_context>
chip_gen: v7x
topology: tpu7x:2x2x1
jax: 0.10.2.dev20260603
libtpu: 0.0.44.dev20260713+nightly
codegen_flags: <defaults>
</compile_context>

<pallas_src>
import functools

import jax
import jax.numpy as jnp
from jax import lax
from jax.experimental import pallas as pl
from jax.experimental.pallas import tpu as pltpu
from jax.experimental.pallas import tpu_sc as plsc

_NC = 2
_NS = 16
_NW = _NC * _NS
_CE = 80



def _proj_body(x_ref, ws_ref, wd_ref, a_ref, b_ref):
    x = x_ref[...]
    a_ref[...] = jnp.dot(x, ws_ref[...], preferred_element_type=jnp.float32)
    b_ref[...] = jnp.dot(x, wd_ref[...], preferred_element_type=jnp.float32)


def _proj(x, w1s, w1d):
    n, d = x.shape
    blk = 1000
    return pl.pallas_call(
        _proj_body,
        grid=(n // blk,),
        in_specs=[
            pl.BlockSpec((blk, d), lambda i: (i, 0)),
            pl.BlockSpec((d, d), lambda i: (0, 0)),
            pl.BlockSpec((d, d), lambda i: (0, 0)),
        ],
        out_specs=[
            pl.BlockSpec((blk, d), lambda i: (i, 0)),
            pl.BlockSpec((blk, d), lambda i: (i, 0)),
        ],
        out_shape=[jax.ShapeDtypeStruct((n, d), jnp.float32)] * 2,
    )(x, w1s, w1d)



@functools.lru_cache(maxsize=None)
def _make_sc_gather(e_total, n_nodes, d):
    epw = e_total // _NW
    nchunks = epw // _CE
    nvec = d // 16
    mesh = plsc.VectorSubcoreMesh(core_axis_name="c", subcore_axis_name="s",
                                  num_cores=_NC, num_subcores=_NS)

    @functools.partial(
        pl.kernel,
        out_type=jax.ShapeDtypeStruct((e_total, d), jnp.float32),
        mesh=mesh,
        scratch_types=[
            pltpu.VMEM((epw,), jnp.int32),
            pltpu.VMEM((epw,), jnp.int32),
            pltpu.VMEM((_CE, d), jnp.float32),
            pltpu.VMEM((_CE, d), jnp.float32),
            pltpu.VMEM((_CE, d), jnp.float32),
            pltpu.VMEM((_CE, d), jnp.float32),
            pltpu.SemaphoreType.DMA,
            pltpu.SemaphoreType.DMA,
            pltpu.SemaphoreType.DMA,
            pltpu.SemaphoreType.DMA,
        ],
    )
    def sc_fn(a_hbm, b_hbm, src_hbm, dst_hbm, u_hbm,
              src_v, dst_v, wa0, wb0, wa1, wb1, sem0, sem1, wsem0, wsem1):
        wid = lax.axis_index("s") * _NC + lax.axis_index("c")
        base = wid * epw

        pltpu.sync_copy(src_hbm.at[pl.ds(base, epw)], src_v)
        pltpu.sync_copy(dst_hbm.at[pl.ds(base, epw)], dst_v)

        def g_ops(c, wa, wb, sem):
            io = pl.multiple_of(c * _CE, 8)
            return (
                pltpu.make_async_copy(
                    a_hbm.at[src_v.at[pl.ds(io, _CE)]], wa, sem),
                pltpu.make_async_copy(
                    b_hbm.at[dst_v.at[pl.ds(io, _CE)]], wb, sem),
            )

        def g_start(c, wa, wb, sem):
            for cp in g_ops(c, wa, wb, sem):
                cp.start()

        def g_wait(c, wa, wb, sem):
            for cp in g_ops(c, wa, wb, sem):
                cp.wait()

        def compute(wa, wb):
            def row_body(r, rc):
                for v in range(nvec):
                    sl = pl.ds(v * 16, 16)
                    wa[r, sl] = wa[r, sl] + wb[r, sl]
                return rc

            lax.fori_loop(0, _CE, row_body, 0)

        def wb_op(c, wa, wsem):
            off = pl.multiple_of(base + c * _CE, 8)
            return pltpu.make_async_copy(wa, u_hbm.at[pl.ds(off, _CE)], wsem)

        g_start(0, wa0, wb0, sem0)

        def pair_body(t, carry):
            c0 = t * 2
            g_wait(c0, wa0, wb0, sem0)

            @pl.when(c0 >= 1)
            def _():
                wb_op(c0 - 1, wa1, wsem1).wait()

            g_start(c0 + 1, wa1, wb1, sem1)
            compute(wa0, wb0)
            wb_op(c0, wa0, wsem0).start()
            g_wait(c0 + 1, wa1, wb1, sem1)
            wb_op(c0, wa0, wsem0).wait()

            @pl.when(c0 + 2 < nchunks)
            def _():
                g_start(c0 + 2, wa0, wb0, sem0)

            compute(wa1, wb1)
            wb_op(c0 + 1, wa1, wsem1).start()
            return carry

        lax.fori_loop(0, nchunks // 2, pair_body, 0)

        if nchunks % 2 == 1:
            c = nchunks - 1
            g_wait(c, wa0, wb0, sem0)
            wb_op(c - 1, wa1, wsem1).wait()
            compute(wa0, wb0)
            wb_op(c, wa0, wsem0).start()
            wb_op(c, wa0, wsem0).wait()
        else:
            wb_op(nchunks - 1, wa1, wsem1).wait()

    return sc_fn



def _final_body(u_ref, e_ref, x_ref, w1e_ref, b1_ref,
                w2x_ref, w2m_ref, b2_ref, o_ref, *, nb, k, d):
    u = (u_ref[...]
         + jnp.dot(e_ref[...], w1e_ref[...], preferred_element_type=jnp.float32)
         + b1_ref[...])
    mess = jnp.where(u > 0, u, jnp.exp(jnp.minimum(u, 0.0)) - 1.0)
    am = jnp.mean(mess.reshape(nb, k, d), axis=1)
    o_ref[...] = (jnp.dot(x_ref[...], w2x_ref[...],
                          preferred_element_type=jnp.float32)
                  + jnp.dot(am, w2m_ref[...],
                            preferred_element_type=jnp.float32)
                  + b2_ref[...])


def _final(u, e, x, w1e, b1, w2x, w2m, b2):
    n, d = x.shape
    e_total, de = e.shape
    k = e_total // n
    dout = w2x.shape[1]
    nb = 200
    body = functools.partial(_final_body, nb=nb, k=k, d=d)
    return pl.pallas_call(
        body,
        grid=(n // nb,),
        in_specs=[
            pl.BlockSpec((nb * k, d), lambda i: (i, 0)),
            pl.BlockSpec((nb * k, de), lambda i: (i, 0)),
            pl.BlockSpec((nb, d), lambda i: (i, 0)),
            pl.BlockSpec((de, d), lambda i: (0, 0)),
            pl.BlockSpec((1, d), lambda i: (0, 0)),
            pl.BlockSpec((d, dout), lambda i: (0, 0)),
            pl.BlockSpec((d, dout), lambda i: (0, 0)),
            pl.BlockSpec((1, dout), lambda i: (0, 0)),
        ],
        out_specs=pl.BlockSpec((nb, dout), lambda i: (i, 0)),
        out_shape=jax.ShapeDtypeStruct((n, dout), jnp.float32),
    )(u, e, x, w1e, b1, w2x, w2m, b2)



def kernel(x, edge_index, e, W1, b1, W2, b2):
    n, d = x.shape
    e_total = edge_index.shape[1]
    w1s = W1[:d]
    w1d = W1[d:2 * d]
    w1e = W1[2 * d:]
    w2x = W2[:d]
    w2m = W2[d:]
    src = edge_index[0].astype(jnp.int32)
    dst = edge_index[1].astype(jnp.int32)

    a, b = _proj(x, w1s, w1d)
    u = _make_sc_gather(e_total, n, d)(a, b, src, dst)
    return _final(u, e, x, w1e, b1.reshape(1, -1),
                  w2x, w2m, b2.reshape(1, -1))

# --- scband reference (transcript-rebuilt; emitter-appended) ---
"""Pipeline reference for scband-mp-layer-dm-89481348645415 (READ-ONLY COPY).

The authoritative reference and input builder live on the scoring server;
editing this copy changes nothing except your own understanding.
"""

import jax, jax.numpy as jnp
import numpy as np

N = 10000
E = 320000
D_NODE = 128
D_EDGE = 16
D_MSG = 128
D_OUT = 128


def setup_inputs(seed: int = 0) -> dict:
    key = jax.random.key(seed)
    ks = jax.random.split(key, 6)
    x = jax.random.normal(ks[0], (N, D_NODE), dtype=jnp.float32)
    edge_index = jax.random.randint(ks[1], (2, E), 0, N)
    e = jax.random.normal(ks[2], (E, D_EDGE), dtype=jnp.float32)
    # psi: Linear(2*n_node_feats + n_edge_feats -> n_message_feats), ELU
    W1 = jax.random.normal(ks[3], (2 * D_NODE + D_EDGE, D_MSG), dtype=jnp.float32) * 0.05
    b1 = jnp.zeros((D_MSG,), dtype=jnp.float32)
    # gamma: Linear(n_node_feats + n_message_feats -> n_out_feats)
    W2 = jax.random.normal(ks[4], (D_NODE + D_MSG, D_OUT), dtype=jnp.float32) * 0.05
    b2 = jnp.zeros((D_OUT,), dtype=jnp.float32)
    return {"x": x, "edge_index": edge_index, "e": e, "W1": W1, "b1": b1, "W2": W2, "b2": b2}


def reference(x, edge_index, e, W1, b1, W2, b2):
    # k = E // N; module asserts edges are grouped in contiguous blocks of k per node
    k = edge_index.shape[1] // x.shape[0]
    # node_encoding = Identity
    source = jnp.take(x, edge_index[0], axis=0)
    drain = jnp.take(x, edge_index[1], axis=0)
    # message: psi(cat(source, drain, e))
    mess = jax.nn.elu(jnp.concatenate([source, drain, e], axis=1) @ W1 + b1)
    # aggregate: mean over contiguous k-blocks, then gamma(cat(x, all_mess))
    all_mess = jnp.mean(mess.reshape((-1, k) + mess.shape[1:]), axis=1)
    out = jnp.concatenate([x, all_mess], axis=1) @ W2 + b2
    return out

if __name__ == "__main__":
    import jax
    _d = setup_inputs()
    print(jax.jit(kernel)(*tuple(_d.values())))

</pallas_src>

<mosaic_0001>
#map = affine_map<(d0, d1) -> (0, 0)>
#map1 = affine_map<(d0, d1) -> (0)>
module attributes {stable_mosaic.version = 14 : i64} {
  func.func @sc_fn(%arg0: i32, %arg1: i32, %arg2: memref<10000x128xf32, #tpu.memory_space<hbm>>, %arg3: memref<10000x128xf32, #tpu.memory_space<hbm>>, %arg4: memref<320000xi32, #tpu.memory_space<hbm>>, %arg5: memref<320000xi32, #tpu.memory_space<hbm>>, %arg6: memref<320000x128xf32, #tpu.memory_space<hbm>>, %arg7: memref<10000xi32, #tpu.memory_space<vmem>>, %arg8: memref<10000xi32, #tpu.memory_space<vmem>>, %arg9: memref<80x128xf32, #tpu.memory_space<vmem>>, %arg10: memref<80x128xf32, #tpu.memory_space<vmem>>, %arg11: memref<80x128xf32, #tpu.memory_space<vmem>>, %arg12: memref<80x128xf32, #tpu.memory_space<vmem>>, %arg13: memref<!tpu.dma_semaphore, #tpu.memory_space<semaphore_mem>>, %arg14: memref<!tpu.dma_semaphore, #tpu.memory_space<semaphore_mem>>, %arg15: memref<!tpu.dma_semaphore, #tpu.memory_space<semaphore_mem>>, %arg16: memref<!tpu.dma_semaphore, #tpu.memory_space<semaphore_mem>>) attributes {dimension_semantics = [#tpu.dimension_semantics<core_parallel>, #tpu.dimension_semantics<subcore_parallel>], iteration_bounds = array<i64: 2, 16>, scalar_prefetch = 0 : i64, scratch_operands = 10 : i64, tpu.core_type = #tpu.core_type<sc_vector_subcore>, window_params = [{transform_indices = #map}, {transform_indices = #map}, {transform_indices = #map1}, {transform_indices = #map1}, {transform_indices = #map}]} {
    %mul3A = arith.constant 2 : i32
    %mul3A_0 = arith.muli %arg1, %mul3A : i32
    %add3A = arith.addi %mul3A_0, %arg0 : i32
    %mul3A_1 = arith.constant 10000 : i32
    %mul3A_2 = arith.muli %add3A, %mul3A_1 : i32
    "tpu.region"() ({
      %run_scoped3A = tpu.sem_alloc : memref<!tpu.dma_semaphore, #tpu.memory_space<semaphore_mem>>
      %dma_start3A_52 = tpu.memref_slice %arg4[%mul3A_2] : memref<320000xi32, #tpu.memory_space<hbm>> -> memref<10000xi32, #tpu.memory_space<hbm>>
      %dma_start3A_53 = tpu.memref_slice %arg4[%mul3A_2] : memref<320000xi32, #tpu.memory_space<hbm>> -> memref<10000xi32, #tpu.memory_space<hbm>>
      tpu.enqueue_dma source(%dma_start3A_53 : memref<10000xi32, #tpu.memory_space<hbm>>) target(%arg7 : memref<10000xi32, #tpu.memory_space<vmem>>) target_semaphore(%run_scoped3A : memref<!tpu.dma_semaphore, #tpu.memory_space<semaphore_mem>>)
      %dma_wait3A_54 = tpu.memref_slice %arg4[%mul3A_2] : memref<320000xi32, #tpu.memory_space<hbm>> -> memref<10000xi32, #tpu.memory_space<hbm>>
      %dma_wait3A_55 = tpu.memref_slice %arg4[%mul3A_2] : memref<320000xi32, #tpu.memory_space<hbm>> -> memref<10000xi32, #tpu.memory_space<hbm>>
      tpu.wait_dma2 semaphore(%run_scoped3A : memref<!tpu.dma_semaphore, #tpu.memory_space<semaphore_mem>>) src(%dma_wait3A_55 : memref<10000xi32, #tpu.memory_space<hbm>>) dst(%arg7 : memref<10000xi32, #tpu.memory_space<vmem>>)
      tpu.yield
    }) : () -> ()
    "tpu.region"() ({
      %run_scoped3A = tpu.sem_alloc : memref<!tpu.dma_semaphore, #tpu.memory_space<semaphore_mem>>
      %dma_start3A_52 = tpu.memref_slice %arg5[%mul3A_2] : memref<320000xi32, #tpu.memory_space<hbm>> -> memref<10000xi32, #tpu.memory_space<hbm>>
      %dma_start3A_53 = tpu.memref_slice %arg5[%mul3A_2] : memref<320000xi32, #tpu.memory_space<hbm>> -> memref<10000xi32, #tpu.memory_space<hbm>>
      tpu.enqueue_dma source(%dma_start3A_53 : memref<10000xi32, #tpu.memory_space<hbm>>) target(%arg8 : memref<10000xi32, #tpu.memory_space<vmem>>) target_semaphore(%run_scoped3A : memref<!tpu.dma_semaphore, #tpu.memory_space<semaphore_mem>>)
      %dma_wait3A_54 = tpu.memref_slice %arg5[%mul3A_2] : memref<320000xi32, #tpu.memory_space<hbm>> -> memref<10000xi32, #tpu.memory_space<hbm>>
      %dma_wait3A_55 = tpu.memref_slice %arg5[%mul3A_2] : memref<320000xi32, #tpu.memory_space<hbm>> -> memref<10000xi32, #tpu.memory_space<hbm>>
      tpu.wait_dma2 semaphore(%run_scoped3A : memref<!tpu.dma_semaphore, #tpu.memory_space<semaphore_mem>>) src(%dma_wait3A_55 : memref<10000xi32, #tpu.memory_space<hbm>>) dst(%arg8 : memref<10000xi32, #tpu.memory_space<vmem>>)
      tpu.yield
    }) : () -> ()
    %multiple_of3A = arith.constant 0 : i32
    %multiple_of3A_3 = tpu.assume_multiple %multiple_of3A, 8 : i32
    %dma_start3A = tpu.memref_slice %arg7[%multiple_of3A_3] : memref<10000xi32, #tpu.memory_space<vmem>> -> memref<80xi32, #tpu.memory_space<vmem>>
    %dma_start3A_4 = arith.constant 0 : i32
    %dma_start3A_5 = arith.constant 0 : i32
    %dma_start3A_6 = tpu.memref_slice %arg2[%dma_start3A_4, %dma_start3A_5] : memref<10000x128xf32, #tpu.memory_space<hbm>> -> memref<10000x128xf32, #tpu.memory_space<hbm>>
    tpu.enqueue_indirect_dma source(%dma_start3A_6 : memref<10000x128xf32, #tpu.memory_space<hbm>>) target(%arg9 : memref<80x128xf32, #tpu.memory_space<vmem>>) offsets(%dma_start3A : memref<80xi32, #tpu.memory_space<vmem>>) semaphore(%arg13 : memref<!tpu.dma_semaphore, #tpu.memory_space<semaphore_mem>>)
    %dma_start3A_7 = tpu.memref_slice %arg8[%multiple_of3A_3] : memref<10000xi32, #tpu.memory_space<vmem>> -> memref<80xi32, #tpu.memory_space<vmem>>
    %dma_start3A_8 = arith.constant 0 : i32
    %dma_start3A_9 = arith.constant 0 : i32
    %dma_start3A_10 = tpu.memref_slice %arg3[%dma_start3A_8, %dma_start3A_9] : memref<10000x128xf32, #tpu.memory_space<hbm>> -> memref<10000x128xf32, #tpu.memory_space<hbm>>
    tpu.enqueue_indirect_dma source(%dma_start3A_10 : memref<10000x128xf32, #tpu.memory_space<hbm>>) target(%arg10 : memref<80x128xf32, #tpu.memory_space<vmem>>) offsets(%dma_start3A_7 : memref<80xi32, #tpu.memory_space<vmem>>) semaphore(%arg13 : memref<!tpu.dma_semaphore, #tpu.memory_space<semaphore_mem>>)
    %scan3A = arith.constant 0 : i32
    %scan3A_11 = arith.constant 0 : i32
    %scan3A_12 = arith.constant 62 : i32
    %scan3A_13 = arith.addi %scan3A_11, %scan3A_12 : i32
    %scan3A_14 = arith.constant 1 : i32
    scf.for %scan3A_52 = %scan3A_11 to %scan3A_13 step %scan3A_14  : i32 {
      %mul3A_53 = arith.constant 2 : i32
      %mul3A_54 = arith.muli %scan3A_52, %mul3A_53 : i32
      %mul3A_55 = arith.constant 80 : i32
      %mul3A_56 = arith.muli %mul3A_54, %mul3A_55 : i32
      %multiple_of3A_57 = tpu.assume_multiple %mul3A_56, 8 : i32
      %dma_wait3A_58 = tpu.memref_slice %arg7[%multiple_of3A_57] : memref<10000xi32, #tpu.memory_space<vmem>> -> memref<80xi32, #tpu.memory_space<vmem>>
      %dma_wait3A_59 = arith.constant 0 : i32
      %dma_wait3A_60 = arith.constant 0 : i32
      %dma_wait3A_61 = tpu.memref_slice %arg2[%dma_wait3A_59, %dma_wait3A_60] : memref<10000x128xf32, #tpu.memory_space<hbm>> -> memref<10000x128xf32, #tpu.memory_space<hbm>>
      tpu.wait_indirect_dma semaphore(%arg13 : memref<!tpu.dma_semaphore, #tpu.memory_space<semaphore_mem>>) src(%dma_wait3A_61 : memref<10000x128xf32, #tpu.memory_space<hbm>>) dst(%arg9 : memref<80x128xf32, #tpu.memory_space<vmem>>)
      %dma_wait3A_62 = tpu.memref_slice %arg8[%multiple_of3A_57] : memref<10000xi32, #tpu.memory_space<vmem>> -> memref<80xi32, #tpu.memory_space<vmem>>
      %dma_wait3A_63 = arith.constant 0 : i32
      %dma_wait3A_64 = arith.constant 0 : i32
      %dma_wait3A_65 = tpu.memref_slice %arg3[%dma_wait3A_63, %dma_wait3A_64] : memref<10000x128xf32, #tpu.memory_space<hbm>> -> memref<10000x128xf32, #tpu.memory_space<hbm>>
      tpu.wait_indirect_dma semaphore(%arg13 : memref<!tpu.dma_semaphore, #tpu.memory_space<semaphore_mem>>) src(%dma_wait3A_65 : memref<10000x128xf32, #tpu.memory_space<hbm>>) dst(%arg10 : memref<80x128xf32, #tpu.memory_space<vmem>>)
      %ge3A = arith.constant 1 : i32
      %ge3A_66 = arith.cmpi sge, %mul3A_54, %ge3A : i32
      %convert_element_type3A = arith.extui %ge3A_66 : i1 to i32
      %cond3A = arith.constant 0 : i32
      %cond3A_67 = arith.cmpi ne, %convert_element_type3A, %cond3A : i32
      scf.if %cond3A_67 {
        %sub3A = arith.constant 1 : i32
        %sub3A_138 = arith.subi %mul3A_54, %sub3A : i32
        %mul3A_139 = arith.constant 80 : i32
        %mul3A_140 = arith.muli %sub3A_138, %mul3A_139 : i32
        %add3A_141 = arith.addi %mul3A_2, %mul3A_140 : i32
        %multiple_of3A_142 = tpu.assume_multiple %add3A_141, 8 : i32
        %dma_wait3A_143 = arith.constant 0 : i32
        %dma_wait3A_144 = tpu.memref_slice %arg6[%multiple_of3A_142, %dma_wait3A_143] : memref<320000x128xf32, #tpu.memory_space<hbm>> -> memref<80x128xf32, #tpu.memory_space<hbm>>
        %dma_wait3A_145 = arith.constant 0 : i32
        %dma_wait3A_146 = tpu.memref_slice %arg6[%multiple_of3A_142, %dma_wait3A_145] : memref<320000x128xf32, #tpu.memory_space<hbm>> -> memref<80x128xf32, #tpu.memory_space<hbm>>
        tpu.wait_dma2 semaphore(%arg16 : memref<!tpu.dma_semaphore, #tpu.memory_space<semaphore_mem>>) src(%arg11 : memref<80x128xf32, #tpu.memory_space<vmem>>) dst(%dma_wait3A_146 : memref<80x128xf32, #tpu.memory_space<hbm>>)
      } else {
      }
      %add3A_68 = arith.constant 1 : i32
      %add3A_69 = arith.addi %mul3A_54, %add3A_68 : i32
      %mul3A_70 = arith.constant 80 : i32
      %mul3A_71 = arith.muli %add3A_69, %mul3A_70 : i32
      %multiple_of3A_72 = tpu.assume_multiple %mul3A_71, 8 : i32
      %dma_start3A_73 = tpu.memref_slice %arg7[%multiple_of3A_72] : memref<10000xi32, #tpu.memory_space<vmem>> -> memref<80xi32, #tpu.memory_space<vmem>>
      %dma_start3A_74 = arith.constant 0 : i32
      %dma_start3A_75 = arith.constant 0 : i32
      %dma_start3A_76 = tpu.memref_slice %arg2[%dma_start3A_74, %dma_start3A_75] : memref<10000x128xf32, #tpu.memory_space<hbm>> -> memref<10000x128xf32, #tpu.memory_space<hbm>>
      tpu.enqueue_indirect_dma source(%dma_start3A_76 : memref<10000x128xf32, #tpu.memory_space<hbm>>) target(%arg11 : memref<80x128xf32, #tpu.memory_space<vmem>>) offsets(%dma_start3A_73 : memref<80xi32, #tpu.memory_space<vmem>>) semaphore(%arg14 : memref<!tpu.dma_semaphore, #tpu.memory_space<semaphore_mem>>)
      %dma_start3A_77 = tpu.memref_slice %arg8[%multiple_of3A_72] : memref<10000xi32, #tpu.memory_space<vmem>> -> memref<80xi32, #tpu.memory_space<vmem>>
      %dma_start3A_78 = arith.constant 0 : i32
      %dma_start3A_79 = arith.constant 0 : i32
      %dma_start3A_80 = tpu.memref_slice %arg3[%dma_start3A_78, %dma_start3A_79] : memref<10000x128xf32, #tpu.memory_space<hbm>> -> memref<10000x128xf32, #tpu.memory_space<hbm>>
      tpu.enqueue_indirect_dma source(%dma_start3A_80 : memref<10000x128xf32, #tpu.memory_space<hbm>>) target(%arg12 : memref<80x128xf32, #tpu.memory_space<vmem>>) offsets(%dma_start3A_77 : memref<80xi32, #tpu.memory_space<vmem>>) semaphore(%arg14 : memref<!tpu.dma_semaphore, #tpu.memory_space<semaphore_mem>>)
      %scan3A_81 = arith.constant 0 : i32
      %scan3A_82 = arith.constant 0 : i32
      %scan3A_83 = arith.constant 80 : i32
      %scan3A_84 = arith.addi %scan3A_82, %scan3A_83 : i32
      %scan3A_85 = arith.constant 1 : i32
      scf.for %scan3A_138 = %scan3A_82 to %scan3A_84 step %scan3A_85  : i32 {
        %get3A = arith.index_cast %scan3A_138 : i32 to index
        %get3A_139 = arith.constant 0 : index
        %get3A_140 = tpu.vector_load %arg9[%get3A, %get3A_139] {strides = array<i32>} : memref<80x128xf32, #tpu.memory_space<vmem>>, vector<1x16xf32>,
        %get3A_141 = vector.shape_cast %get3A_140 : vector<1x16xf32> to vector<16xf32>
        %get3A_142 = arith.index_cast %scan3A_138 : i32 to index
        %get3A_143 = arith.constant 0 : index
        %get3A_144 = tpu.vector_load %arg10[%get3A_142, %get3A_143] {strides = array<i32>} : memref<80x128xf32, #tpu.memory_space<vmem>>, vector<1x16xf32>,
        %get3A_145 = vector.shape_cast %get3A_144 : vector<1x16xf32> to vector<16xf32>
        %add3A_146 = arith.addf %get3A_141, %get3A_145 : vector<16xf32>
        %swap3A = arith.index_cast %scan3A_138 : i32 to index
        %swap3A_147 = arith.constant 0 : index
        %swap3A_148 = tpu.vector_load %arg9[%swap3A, %swap3A_147] {strides = array<i32>} : memref<80x128xf32, #tpu.memory_space<vmem>>, vector<1x16xf32>,
        %swap3A_149 = vector.shape_cast %swap3A_148 : vector<1x16xf32> to vector<16xf32>
        %swap3A_150 = vector.shape_cast %add3A_146 : vector<16xf32> to vector<1x16xf32>
        tpu.vector_store %arg9[%swap3A, %swap3A_147], %swap3A_150 {strides = array<i32>} : memref<80x128xf32, #tpu.memory_space<vmem>>, vector<1x16xf32>,
        %get3A_151 = arith.index_cast %scan3A_138 : i32 to index
        %get3A_152 = arith.constant 16 : index
        %get3A_153 = tpu.vector_load %arg9[%get3A_151, %get3A_152] {strides = array<i32>} : memref<80x128xf32, #tpu.memory_space<vmem>>, vector<1x16xf32>,
        %get3A_154 = vector.shape_cast %get3A_153 : vector<1x16xf32> to vector<16xf32>
        %get3A_155 = arith.index_cast %scan3A_138 : i32 to index
        %get3A_156 = arith.constant 16 : index
        %get3A_157 = tpu.vector_load %arg10[%get3A_155, %get3A_156] {strides = array<i32>} : memref<80x128xf32, #tpu.memory_space<vmem>>, vector<1x16xf32>,
        %get3A_158 = vector.shape_cast %get3A_157 : vector<1x16xf32> to vector<16xf32>
        %add3A_159 = arith.addf %get3A_154, %get3A_158 : vector<16xf32>
        %swap3A_160 = arith.index_cast %scan3A_138 : i32 to index
        %swap3A_161 = arith.constant 16 : index
        %swap3A_162 = tpu.vector_load %arg9[%swap3A_160, %swap3A_161] {strides = array<i32>} : memref<80x128xf32, #tpu.memory_space<vmem>>, vector<1x16xf32>,
        %swap3A_163 = vector.shape_cast %swap3A_162 : vector<1x16xf32> to vector<16xf32>
        %swap3A_164 = vector.shape_cast %add3A_159 : vector<16xf32> to vector<1x16xf32>
        tpu.vector_store %arg9[%swap3A_160, %swap3A_161], %swap3A_164 {strides = array<i32>} : memref<80x128xf32, #tpu.memory_space<vmem>>, vector<1x16xf32>,
        %get3A_165 = arith.index_cast %scan3A_138 : i32 to index
        %get3A_166 = arith.constant 32 : index
        %get3A_167 = tpu.vector_load %arg9[%get3A_165, %get3A_166] {strides = array<i32>} : memref<80x128xf32, #tpu.memory_space<vmem>>, vector<1x16xf32>,
        %get3A_168 = vector.shape_cast %get3A_167 : vector<1x16xf32> to vector<16xf32>
        %get3A_169 = arith.index_cast %scan3A_138 : i32 to index
        %get3A_170 = arith.constant 32 : index
        %get3A_171 = tpu.vector_load %arg10[%get3A_169, %get3A_170] {strides = array<i32>} : memref<80x128xf32, #tpu.memory_space<vmem>>, vector<1x16xf32>,
        %get3A_172 = vector.shape_cast %get3A_171 : vector<1x16xf32> to vector<16xf32>
        %add3A_173 = arith.addf %get3A_168, %get3A_172 : vector<16xf32>
        %swap3A_174 = arith.index_cast %scan3A_138 : i32 to index
        %swap3A_175 = arith.constant 32 : index
        %swap3A_176 = tpu.vector_load %arg9[%swap3A_174, %swap3A_175] {strides = array<i32>} : memref<80x128xf32, #tpu.memory_space<vmem>>, vector<1x16xf32>,
        %swap3A_177 = vector.shape_cast %swap3A_176 : vector<1x16xf32> to vector<16xf32>
        %swap3A_178 = vector.shape_cast %add3A_173 : vector<16xf32> to vector<1x16xf32>
        tpu.vector_store %arg9[%swap3A_174, %swap3A_175], %swap3A_178 {strides = array<i32>} : memref<80x128xf32, #tpu.memory_space<vmem>>, vector<1x16xf32>,
        %get3A_179 = arith.index_cast %scan3A_138 : i32 to index
        %get3A_180 = arith.constant 48 : index
        %get3A_181 = tpu.vector_load %arg9[%get3A_179, %get3A_180] {strides = array<i32>} : memref<80x128xf32, #tpu.memory_space<vmem>>, vector<1x16xf32>,
        %get3A_182 = vector.shape_cast %get3A_181 : vector<1x16xf32> to vector<16xf32>
        %get3A_183 = arith.index_cast %scan3A_138 : i32 to index
        %get3A_184 = arith.constant 48 : index
        %get3A_185 = tpu.vector_load %arg10[%get3A_183, %get3A_184] {strides = array<i32>} : memref<80x128xf32, #tpu.memory_space<vmem>>, vector<1x16xf32>,
        %get3A_186 = vector.shape_cast %get3A_185 : vector<1x16xf32> to vector<16xf32>
        %add3A_187 = arith.addf %get3A_182, %get3A_186 : vector<16xf32>
        %swap3A_188 = arith.index_cast %scan3A_138 : i32 to index
        %swap3A_189 = arith.constant 48 : index
        %swap3A_190 = tpu.vector_load %arg9[%swap3A_188, %swap3A_189] {strides = array<i32>} : memref<80x128xf32, #tpu.memory_space<vmem>>, vector<1x16xf32>,
        %swap3A_191 = vector.shape_cast %swap3A_190 : vector<1x16xf32> to vector<16xf32>
        %swap3A_192 = vector.shape_cast %add3A_187 : vector<16xf32> to vector<1x16xf32>
        tpu.vector_store %arg9[%swap3A_188, %swap3A_189], %swap3A_192 {strides = array<i32>} : memref<80x128xf32, #tpu.memory_space<vmem>>, vector<1x16xf32>,
        %get3A_193 = arith.index_cast %scan3A_138 : i32 to index
        %get3A_194 = arith.constant 64 : index
        %get3A_195 = tpu.vector_load %arg9[%get3A_193, %get3A_194] {strides = array<i32>} : memref<80x128xf32, #tpu.memory_space<vmem>>, vector<1x16xf32>,
        %get3A_196 = vector.shape_cast %get3A_195 : vector<1x16xf32> to vector<16xf32>
        %get3A_197 = arith.index_cast %scan3A_138 : i32 to index
        %get3A_198 = arith.constant 64 : index
        %get3A_199 = tpu.vector_load %arg10[%get3A_197, %get3A_198] {strides = array<i32>} : memref<80x128xf32, #tpu.memory_space<vmem>>, vector<1x16xf32>,
        %get3A_200 = vector.shape_cast %get3A_199 : vector<1x16xf32> to vector<16xf32>
        %add3A_201 = arith.addf %get3A_196, %get3A_200 : vector<16xf32>
        %swap3A_202 = arith.index_cast %scan3A_138 : i32 to index
        %swap3A_203 = arith.constant 64 : index
        %swap3A_204 = tpu.vector_load %arg9[%swap3A_202, %swap3A_203] {strides = array<i32>} : memref<80x128xf32, #tpu.memory_space<vmem>>, vector<1x16xf32>,
        %swap3A_205 = vector.shape_cast %swap3A_204 : vector<1x16xf32> to vector<16xf32>
        %swap3A_206 = vector.shape_cast %add3A_201 : vector<16xf32> to vector<1x16xf32>
        tpu.vector_store %arg9[%swap3A_202, %swap3A_203], %swap3A_206 {strides = array<i32>} : memref<80x128xf32, #tpu.memory_space<vmem>>, vector<1x16xf32>,
        %get3A_207 = arith.index_cast %scan3A_138 : i32 to index
        %get3A_208 = arith.constant 80 : index
        %get3A_209 = tpu.vector_load %arg9[%get3A_207, %get3A_208] {strides = array<i32>} : memref<80x128xf32, #tpu.memory_space<vmem>>, vector<1x16xf32>,
        %get3A_210 = vector.shape_cast %get3A_209 : vector<1x16xf32> to vector<16xf32>
        %get3A_211 = arith.index_cast %scan3A_138 : i32 to index
        %get3A_212 = arith.constant 80 : index
        %get3A_213 = tpu.vector_load %arg10[%get3A_211, %get3A_212] {strides = array<i32>} : memref<80x128xf32, #tpu.memory_space<vmem>>, vector<1x16xf32>,
        %get3A_214 = vector.shape_cast %get3A_213 : vector<1x16xf32> to vector<16xf32>
        %add3A_215 = arith.addf %get3A_210, %get3A_214 : vector<16xf32>
        %swap3A_216 = arith.index_cast %scan3A_138 : i32 to index
        %swap3A_217 = arith.constant 80 : index
        %swap3A_218 = tpu.vector_load %arg9[%swap3A_216, %swap3A_217] {strides = array<i32>} : memref<80x128xf32, #tpu.memory_space<vmem>>, vector<1x16xf32>,
        %swap3A_219 = vector.shape_cast %swap3A_218 : vector<1x16xf32> to vector<16xf32>
        %swap3A_220 = vector.shape_cast %add3A_215 : vector<16xf32> to vector<1x16xf32>
        tpu.vector_store %arg9[%swap3A_216, %swap3A_217], %swap3A_220 {strides = array<i32>} : memref<80x128xf32, #tpu.memory_space<vmem>>, vector<1x16xf32>,
        %get3A_221 = arith.index_cast %scan3A_138 : i32 to index
        %get3A_222 = arith.constant 96 : index
        %get3A_223 = tpu.vector_load %arg9[%get3A_221, %get3A_222] {strides = array<i32>} : memref<80x128xf32, #tpu.memory_space<vmem>>, vector<1x16xf32>,
        %get3A_224 = vector.shape_cast %get3A_223 : vector<1x16xf32> to vector<16xf32>
        %get3A_225 = arith.index_cast %scan3A_138 : i32 to index
        %get3A_226 = arith.constant 96 : index
        %get3A_227 = tpu.vector_load %arg10[%get3A_225, %get3A_226] {strides = array<i32>} : memref<80x128xf32, #tpu.memory_space<vmem>>, vector<1x16xf32>,
        %get3A_228 = vector.shape_cast %get3A_227 : vector<1x16xf32> to vector<16xf32>
        %add3A_229 = arith.addf %get3A_224, %get3A_228 : vector<16xf32>
        %swap3A_230 = arith.index_cast %scan3A_138 : i32 to index
        %swap3A_231 = arith.constant 96 : index
        %swap3A_232 = tpu.vector_load %arg9[%swap3A_230, %swap3A_231] {strides = array<i32>} : memref<80x128xf32, #tpu.memory_space<vmem>>, vector<1x16xf32>,
        %swap3A_233 = vector.shape_cast %swap3A_232 : vector<1x16xf32> to vector<16xf32>
        %swap3A_234 = vector.shape_cast %add3A_229 : vector<16xf32> to vector<1x16xf32>
        tpu.vector_store %arg9[%swap3A_230, %swap3A_231], %swap3A_234 {strides = array<i32>} : memref<80x128xf32, #tpu.memory_space<vmem>>, vector<1x16xf32>,
        %get3A_235 = arith.index_cast %scan3A_138 : i32 to index
        %get3A_236 = arith.constant 112 : index
        %get3A_237 = tpu.vector_load %arg9[%get3A_235, %get3A_236] {strides = array<i32>} : memref<80x128xf32, #tpu.memory_space<vmem>>, vector<1x16xf32>,
        %get3A_238 = vector.shape_cast %get3A_237 : vector<1x16xf32> to vector<16xf32>
        %get3A_239 = arith.index_cast %scan3A_138 : i32 to index
        %get3A_240 = arith.constant 112 : index
        %get3A_241 = tpu.vector_load %arg10[%get3A_239, %get3A_240] {strides = array<i32>} : memref<80x128xf32, #tpu.memory_space<vmem>>, vector<1x16xf32>,
        %get3A_242 = vector.shape_cast %get3A_241 : vector<1x16xf32> to vector<16xf32>
        %add3A_243 = arith.addf %get3A_238, %get3A_242 : vector<16xf32>
        %swap3A_244 = arith.index_cast %scan3A_138 : i32 to index
        %swap3A_245 = arith.constant 112 : index
        %swap3A_246 = tpu.vector_load %arg9[%swap3A_244, %swap3A_245] {strides = array<i32>} : memref<80x128xf32, #tpu.memory_space<vmem>>, vector<1x16xf32>,
        %swap3A_247 = vector.shape_cast %swap3A_246 : vector<1x16xf32> to vector<16xf32>
        %swap3A_248 = vector.shape_cast %add3A_243 : vector<16xf32> to vector<1x16xf32>
        tpu.vector_store %arg9[%swap3A_244, %swap3A_245], %swap3A_248 {strides = array<i32>} : memref<80x128xf32, #tpu.memory_space<vmem>>, vector<1x16xf32>,
      }
      %scan3A_86 = arith.constant 80 : i32
      %mul3A_87 = arith.constant 80 : i32
      %mul3A_88 = arith.muli %mul3A_54, %mul3A_87 : i32
      %add3A_89 = arith.addi %mul3A_2, %mul3A_88 : i32
      %multiple_of3A_90 = tpu.assume_multiple %add3A_89, 8 : i32
      %dma_start3A_91 = arith.constant 0 : i32
      %dma_start3A_92 = tpu.memref_slice %arg6[%multiple_of3A_90, %dma_start3A_91] : memref<320000x128xf32, #tpu.memory_space<hbm>> -> memref<80x128xf32, #tpu.memory_space<hbm>>
      %dma_start3A_93 = arith.constant 0 : i32
      %dma_start3A_94 = tpu.memref_slice %arg6[%multiple_of3A_90, %dma_start3A_93] : memref<320000x128xf32, #tpu.memory_space<hbm>> -> memref<80x128xf32, #tpu.memory_space<hbm>>
      tpu.enqueue_dma source(%arg9 : memref<80x128xf32, #tpu.memory_space<vmem>>) target(%dma_start3A_94 : memref<80x128xf32, #tpu.memory_space<hbm>>) target_semaphore(%arg15 : memref<!tpu.dma_semaphore, #tpu.memory_space<semaphore_mem>>)
      %add3A_95 = arith.constant 1 : i32
      %add3A_96 = arith.addi %mul3A_54, %add3A_95 : i32
      %mul3A_97 = arith.constant 80 : i32
      %mul3A_98 = arith.muli %add3A_96, %mul3A_97 : i32
      %multiple_of3A_99 = tpu.assume_multiple %mul3A_98, 8 : i32
      %dma_wait3A_100 = tpu.memref_slice %arg7[%multiple_of3A_99] : memref<10000xi32, #tpu.memory_space<vmem>> -> memref<80xi32, #tpu.memory_space<vmem>>
      %dma_wait3A_101 = arith.constant 0 : i32
      %dma_wait3A_102 = arith.constant 0 : i32
      %dma_wait3A_103 = tpu.memref_slice %arg2[%dma_wait3A_101, %dma_wait3A_102] : memref<10000x128xf32, #tpu.memory_space<hbm>> -> memref<10000x128xf32, #tpu.memory_space<hbm>>
      tpu.wait_indirect_dma semaphore(%arg14 : memref<!tpu.dma_semaphore, #tpu.memory_space<semaphore_mem>>) src(%dma_wait3A_103 : memref<10000x128xf32, #tpu.memory_space<hbm>>) dst(%arg11 : memref<80x128xf32, #tpu.memory_space<vmem>>)
      %dma_wait3A_104 = tpu.memref_slice %arg8[%multiple_of3A_99] : memref<10000xi32, #tpu.memory_space<vmem>> -> memref<80xi32, #tpu.memory_space<vmem>>
      %dma_wait3A_105 = arith.constant 0 : i32
      %dma_wait3A_106 = arith.constant 0 : i32
      %dma_wait3A_107 = tpu.memref_slice %arg3[%dma_wait3A_105, %dma_wait3A_106] : memref<10000x128xf32, #tpu.memory_space<hbm>> -> memref<10000x128xf32, #tpu.memory_space<hbm>>
      tpu.wait_indirect_dma semaphore(%arg14 : memref<!tpu.dma_semaphore, #tpu.memory_space<semaphore_mem>>) src(%dma_wait3A_107 : memref<10000x128xf32, #tpu.memory_space<hbm>>) dst(%arg12 : memref<80x128xf32, #tpu.memory_space<vmem>>)
      %mul3A_108 = arith.constant 80 : i32
      %mul3A_109 = arith.muli %mul3A_54, %mul3A_108 : i32
      %add3A_110 = arith.addi %mul3A_2, %mul3A_109 : i32
      %multiple_of3A_111 = tpu.assume_multiple %add3A_110, 8 : i32
      %dma_wait3A_112 = arith.constant 0 : i32
      %dma_wait3A_113 = tpu.memref_slice %arg6[%multiple_of3A_111, %dma_wait3A_112] : memref<320000x128xf32, #tpu.memory_space<hbm>> -> memref<80x128xf32, #tpu.memory_space<hbm>>
      %dma_wait3A_114 = arith.constant 0 : i32
      %dma_wait3A_115 = tpu.memref_slice %arg6[%multiple_of3A_111, %dma_wait3A_114] : memref<320000x128xf32, #tpu.memory_space<hbm>> -> memref<80x128xf32, #tpu.memory_space<hbm>>
      tpu.wait_dma2 semaphore(%arg15 : memref<!tpu.dma_semaphore, #tpu.memory_space<semaphore_mem>>) src(%arg9 : memref<80x128xf32, #tpu.memory_space<vmem>>) dst(%dma_wait3A_115 : memref<80x128xf32, #tpu.memory_space<hbm>>)
      %add3A_116 = arith.constant 2 : i32
      %add3A_117 = arith.addi %mul3A_54, %add3A_116 : i32
      %lt3A = arith.constant 125 : i32
      %lt3A_118 = arith.cmpi slt, %add3A_117, %lt3A : i32
      %convert_element_type3A_119 = arith.extui %lt3A_118 : i1 to i32
      %cond3A_120 = arith.constant 0 : i32
      %cond3A_121 = arith.cmpi ne, %convert_element_type3A_119, %cond3A_120 : i32
      scf.if %cond3A_121 {
        %add3A_138 = arith.constant 2 : i32
        %add3A_139 = arith.addi %mul3A_54, %add3A_138 : i32
        %mul3A_140 = arith.constant 80 : i32
        %mul3A_141 = arith.muli %add3A_139, %mul3A_140 : i32
        %multiple_of3A_142 = tpu.assume_multiple %mul3A_141, 8 : i32
        %dma_start3A_143 = tpu.memref_slice %arg7[%multiple_of3A_142] : memref<10000xi32, #tpu.memory_space<vmem>> -> memref<80xi32, #tpu.memory_space<vmem>>
        %dma_start3A_144 = arith.constant 0 : i32
        %dma_start3A_145 = arith.constant 0 : i32
        %dma_start3A_146 = tpu.memref_slice %arg2[%dma_start3A_144, %dma_start3A_145] : memref<10000x128xf32, #tpu.memory_space<hbm>> -> memref<10000x128xf32, #tpu.memory_space<hbm>>
        tpu.enqueue_indirect_dma source(%dma_start3A_146 : memref<10000x128xf32, #tpu.memory_space<hbm>>) target(%arg9 : memref<80x128xf32, #tpu.memory_space<vmem>>) offsets(%dma_start3A_143 : memref<80xi32, #tpu.memory_space<vmem>>) semaphore(%arg13 : memref<!tpu.dma_semaphore, #tpu.memory_space<semaphore_mem>>)
        %dma_start3A_147 = tpu.memref_slice %arg8[%multiple_of3A_142] : memref<10000xi32, #tpu.memory_space<vmem>> -> memref<80xi32, #tpu.memory_space<vmem>>
        %dma_start3A_148 = arith.constant 0 : i32
        %dma_start3A_149 = arith.constant 0 : i32
        %dma_start3A_150 = tpu.memref_slice %arg3[%dma_start3A_148, %dma_start3A_149] : memref<10000x128xf32, #tpu.memory_space<hbm>> -> memref<10000x128xf32, #tpu.memory_space<hbm>>
        tpu.enqueue_indirect_dma source(%dma_start3A_150 : memref<10000x128xf32, #tpu.memory_space<hbm>>) target(%arg10 : memref<80x128xf32, #tpu.memory_space<vmem>>) offsets(%dma_start3A_147 : memref<80xi32, #tpu.memory_space<vmem>>) semaphore(%arg13 : memref<!tpu.dma_semaphore, #tpu.memory_space<semaphore_mem>>)
      } else {
      }
      %scan3A_122 = arith.constant 0 : i32
      %scan3A_123 = arith.constant 0 : i32
      %scan3A_124 = arith.constant 80 : i32
      %scan3A_125 = arith.addi %scan3A_123, %scan3A_124 : i32
      %scan3A_126 = arith.constant 1 : i32
      scf.for %scan3A_138 = %scan3A_123 to %scan3A_125 step %scan3A_126  : i32 {
        %get3A = arith.index_cast %scan3A_138 : i32 to index
        %get3A_139 = arith.constant 0 : index
        %get3A_140 = tpu.vector_load %arg11[%get3A, %get3A_139] {strides = array<i32>} : memref<80x128xf32, #tpu.memory_space<vmem>>, vector<1x16xf32>,
        %get3A_141 = vector.shape_cast %get3A_140 : vector<1x16xf32> to vector<16xf32>
        %get3A_142 = arith.index_cast %scan3A_138 : i32 to index
        %get3A_143 = arith.constant 0 : index
        %get3A_144 = tpu.vector_load %arg12[%get3A_142, %get3A_143] {strides = array<i32>} : memref<80x128xf32, #tpu.memory_space<vmem>>, vector<1x16xf32>,
        %get3A_145 = vector.shape_cast %get3A_144 : vector<1x16xf32> to vector<16xf32>
        %add3A_146 = arith.addf %get3A_141, %get3A_145 : vector<16xf32>
        %swap3A = arith.index_cast %scan3A_138 : i32 to index
        %swap3A_147 = arith.constant 0 : index
        %swap3A_148 = tpu.vector_load %arg11[%swap3A, %swap3A_147] {strides = array<i32>} : memref<80x128xf32, #tpu.memory_space<vmem>>, vector<1x16xf32>,
        %swap3A_149 = vector.shape_cast %swap3A_148 : vector<1x16xf32> to vector<16xf32>
        %swap3A_150 = vector.shape_cast %add3A_146 : vector<16xf32> to vector<1x16xf32>
        tpu.vector_store %arg11[%swap3A, %swap3A_147], %swap3A_150 {strides = array<i32>} : memref<80x128xf32, #tpu.memory_space<vmem>>, vector<1x16xf32>,
        %get3A_151 = arith.index_cast %scan3A_138 : i32 to index
        %get3A_152 = arith.constant 16 : index
        %get3A_153 = tpu.vector_load %arg11[%get3A_151, %get3A_152] {strides = array<i32>} : memref<80x128xf32, #tpu.memory_space<vmem>>, vector<1x16xf32>,
        %get3A_154 = vector.shape_cast %get3A_153 : vector<1x16xf32> to vector<16xf32>
        %get3A_155 = arith.index_cast %scan3A_138 : i32 to index
        %get3A_156 = arith.constant 16 : index
        %get3A_157 = tpu.vector_load %arg12[%get3A_155, %get3A_156] {strides = array<i32>} : memref<80x128xf32, #tpu.memory_space<vmem>>, vector<1x16xf32>,
        %get3A_158 = vector.shape_cast %get3A_157 : vector<1x16xf32> to vector<16xf32>
        %add3A_159 = arith.addf %get3A_154, %get3A_158 : vector<16xf32>
        %swap3A_160 = arith.index_cast %scan3A_138 : i32 to index
        %swap3A_161 = arith.constant 16 : index
        %swap3A_162 = tpu.vector_load %arg11[%swap3A_160, %swap3A_161] {strides = array<i32>} : memref<80x128xf32, #tpu.memory_space<vmem>>, vector<1x16xf32>,
        %swap3A_163 = vector.shape_cast %swap3A_162 : vector<1x16xf32> to vector<16xf32>
        %swap3A_164 = vector.shape_cast %add3A_159 : vector<16xf32> to vector<1x16xf32>
        tpu.vector_store %arg11[%swap3A_160, %swap3A_161], %swap3A_164 {strides = array<i32>} : memref<80x128xf32, #tpu.memory_space<vmem>>, vector<1x16xf32>,
        %get3A_165 = arith.index_cast %scan3A_138 : i32 to index
        %get3A_166 = arith.constant 32 : index
        %get3A_167 = tpu.vector_load %arg11[%get3A_165, %get3A_166] {strides = array<i32>} : memref<80x128xf32, #tpu.memory_space<vmem>>, vector<1x16xf32>,
        %get3A_168 = vector.shape_cast %get3A_167 : vector<1x16xf32> to vector<16xf32>
        %get3A_169 = arith.index_cast %scan3A_138 : i32 to index
        %get3A_170 = arith.constant 32 : index
        %get3A_171 = tpu.vector_load %arg12[%get3A_169, %get3A_170] {strides = array<i32>} : memref<80x128xf32, #tpu.memory_space<vmem>>, vector<1x16xf32>,
        %get3A_172 = vector.shape_cast %get3A_171 : vector<1x16xf32> to vector<16xf32>
        %add3A_173 = arith.addf %get3A_168, %get3A_172 : vector<16xf32>
        %swap3A_174 = arith.index_cast %scan3A_138 : i32 to index
        %swap3A_175 = arith.constant 32 : index
        %swap3A_176 = tpu.vector_load %arg11[%swap3A_174, %swap3A_175] {strides = array<i32>} : memref<80x128xf32, #tpu.memory_space<vmem>>, vector<1x16xf32>,
        %swap3A_177 = vector.shape_cast %swap3A_176 : vector<1x16xf32> to vector<16xf32>
        %swap3A_178 = vector.shape_cast %add3A_173 : vector<16xf32> to vector<1x16xf32>
        tpu.vector_store %arg11[%swap3A_174, %swap3A_175], %swap3A_178 {strides = array<i32>} : memref<80x128xf32, #tpu.memory_space<vmem>>, vector<1x16xf32>,
        %get3A_179 = arith.index_cast %scan3A_138 : i32 to index
        %get3A_180 = arith.constant 48 : index
        %get3A_181 = tpu.vector_load %arg11[%get3A_179, %get3A_180] {strides = array<i32>} : memref<80x128xf32, #tpu.memory_space<vmem>>, vector<1x16xf32>,
        %get3A_182 = vector.shape_cast %get3A_181 : vector<1x16xf32> to vector<16xf32>
        %get3A_183 = arith.index_cast %scan3A_138 : i32 to index
        %get3A_184 = arith.constant 48 : index
        %get3A_185 = tpu.vector_load %arg12[%get3A_183, %get3A_184] {strides = array<i32>} : memref<80x128xf32, #tpu.memory_space<vmem>>, vector<1x16xf32>,
        %get3A_186 = vector.shape_cast %get3A_185 : vector<1x16xf32> to vector<16xf32>
        %add3A_187 = arith.addf %get3A_182, %get3A_186 : vector<16xf32>
        %swap3A_188 = arith.index_cast %scan3A_138 : i32 to index
        %swap3A_189 = arith.constant 48 : index
        %swap3A_190 = tpu.vector_load %arg11[%swap3A_188, %swap3A_189] {strides = array<i32>} : memref<80x128xf32, #tpu.memory_space<vmem>>, vector<1x16xf32>,
        %swap3A_191 = vector.shape_cast %swap3A_190 : vector<1x16xf32> to vector<16xf32>
        %swap3A_192 = vector.shape_cast %add3A_187 : vector<16xf32> to vector<1x16xf32>
        tpu.vector_store %arg11[%swap3A_188, %swap3A_189], %swap3A_192 {strides = array<i32>} : memref<80x128xf32, #tpu.memory_space<vmem>>, vector<1x16xf32>,
        %get3A_193 = arith.index_cast %scan3A_138 : i32 to index
        %get3A_194 = arith.constant 64 : index
        %get3A_195 = tpu.vector_load %arg11[%get3A_193, %get3A_194] {strides = array<i32>} : memref<80x128xf32, #tpu.memory_space<vmem>>, vector<1x16xf32>,
        %get3A_196 = vector.shape_cast %get3A_195 : vector<1x16xf32> to vector<16xf32>
        %get3A_197 = arith.index_cast %scan3A_138 : i32 to index
        %get3A_198 = arith.constant 64 : index
        %get3A_199 = tpu.vector_load %arg12[%get3A_197, %get3A_198] {strides = array<i32>} : memref<80x128xf32, #tpu.memory_space<vmem>>, vector<1x16xf32>,
        %get3A_200 = vector.shape_cast %get3A_199 : vector<1x16xf32> to vector<16xf32>
        %add3A_201 = arith.addf %get3A_196, %get3A_200 : vector<16xf32>
        %swap3A_202 = arith.index_cast %scan3A_138 : i32 to index
        %swap3A_203 = arith.constant 64 : index
        %swap3A_204 = tpu.vector_load %arg11[%swap3A_202, %swap3A_203] {strides = array<i32>} : memref<80x128xf32, #tpu.memory_space<vmem>>, vector<1x16xf32>,
        %swap3A_205 = vector.shape_cast %swap3A_204 : vector<1x16xf32> to vector<16xf32>
        %swap3A_206 = vector.shape_cast %add3A_201 : vector<16xf32> to vector<1x16xf32>
        tpu.vector_store %arg11[%swap3A_202, %swap3A_203], %swap3A_206 {strides = array<i32>} : memref<80x128xf32, #tpu.memory_space<vmem>>, vector<1x16xf32>,
        %get3A_207 = arith.index_cast %scan3A_138 : i32 to index
        %get3A_208 = arith.constant 80 : index
        %get3A_209 = tpu.vector_load %arg11[%get3A_207, %get3A_208] {strides = array<i32>} : memref<80x128xf32, #tpu.memory_space<vmem>>, vector<1x16xf32>,
        %get3A_210 = vector.shape_cast %get3A_209 : vector<1x16xf32> to vector<16xf32>
        %get3A_211 = arith.index_cast %scan3A_138 : i32 to index
        %get3A_212 = arith.constant 80 : index
        %get3A_213 = tpu.vector_load %arg12[%get3A_211, %get3A_212] {strides = array<i32>} : memref<80x128xf32, #tpu.memory_space<vmem>>, vector<1x16xf32>,
        %get3A_214 = vector.shape_cast %get3A_213 : vector<1x16xf32> to vector<16xf32>
        %add3A_215 = arith.addf %get3A_210, %get3A_214 : vector<16xf32>
        %swap3A_216 = arith.index_cast %scan3A_138 : i32 to index
        %swap3A_217 = arith.constant 80 : index
        %swap3A_218 = tpu.vector_load %arg11[%swap3A_216, %swap3A_217] {strides = array<i32>} : memref<80x128xf32, #tpu.memory_space<vmem>>, vector<1x16xf32>,
        %swap3A_219 = vector.shape_cast %swap3A_218 : vector<1x16xf32> to vector<16xf32>
        %swap3A_220 = vector.shape_cast %add3A_215 : vector<16xf32> to vector<1x16xf32>
        tpu.vector_store %arg11[%swap3A_216, %swap3A_217], %swap3A_220 {strides = array<i32>} : memref<80x128xf32, #tpu.memory_space<vmem>>, vector<1x16xf32>,
        %get3A_221 = arith.index_cast %scan3A_138 : i32 to index
        %get3A_222 = arith.constant 96 : index
        %get3A_223 = tpu.vector_load %arg11[%get3A_221, %get3A_222] {strides = array<i32>} : memref<80x128xf32, #tpu.memory_space<vmem>>, vector<1x16xf32>,
        %get3A_224 = vector.shape_cast %get3A_223 : vector<1x16xf32> to vector<16xf32>
        %get3A_225 = arith.index_cast %scan3A_138 : i32 to index
        %get3A_226 = arith.constant 96 : index
        %get3A_227 = tpu.vector_load %arg12[%get3A_225, %get3A_226] {strides = array<i32>} : memref<80x128xf32, #tpu.memory_space<vmem>>, vector<1x16xf32>,
        %get3A_228 = vector.shape_cast %get3A_227 : vector<1x16xf32> to vector<16xf32>
        %add3A_229 = arith.addf %get3A_224, %get3A_228 : vector<16xf32>
        %swap3A_230 = arith.index_cast %scan3A_138 : i32 to index
        %swap3A_231 = arith.constant 96 : index
        %swap3A_232 = tpu.vector_load %arg11[%swap3A_230, %swap3A_231] {strides = array<i32>} : memref<80x128xf32, #tpu.memory_space<vmem>>, vector<1x16xf32>,
        %swap3A_233 = vector.shape_cast %swap3A_232 : vector<1x16xf32> to vector<16xf32>
        %swap3A_234 = vector.shape_cast %add3A_229 : vector<16xf32> to vector<1x16xf32>
        tpu.vector_store %arg11[%swap3A_230, %swap3A_231], %swap3A_234 {strides = array<i32>} : memref<80x128xf32, #tpu.memory_space<vmem>>, vector<1x16xf32>,
        %get3A_235 = arith.index_cast %scan3A_138 : i32 to index
        %get3A_236 = arith.constant 112 : index
        %get3A_237 = tpu.vector_load %arg11[%get3A_235, %get3A_236] {strides = array<i32>} : memref<80x128xf32, #tpu.memory_space<vmem>>, vector<1x16xf32>,
        %get3A_238 = vector.shape_cast %get3A_237 : vector<1x16xf32> to vector<16xf32>
        %get3A_239 = arith.index_cast %scan3A_138 : i32 to index
        %get3A_240 = arith.constant 112 : index
        %get3A_241 = tpu.vector_load %arg12[%get3A_239, %get3A_240] {strides = array<i32>} : memref<80x128xf32, #tpu.memory_space<vmem>>, vector<1x16xf32>,
        %get3A_242 = vector.shape_cast %get3A_241 : vector<1x16xf32> to vector<16xf32>
        %add3A_243 = arith.addf %get3A_238, %get3A_242 : vector<16xf32>
        %swap3A_244 = arith.index_cast %scan3A_138 : i32 to index
        %swap3A_245 = arith.constant 112 : index
        %swap3A_246 = tpu.vector_load %arg11[%swap3A_244, %swap3A_245] {strides = array<i32>} : memref<80x128xf32, #tpu.memory_space<vmem>>, vector<1x16xf32>,
        %swap3A_247 = vector.shape_cast %swap3A_246 : vector<1x16xf32> to vector<16xf32>
        %swap3A_248 = vector.shape_cast %add3A_243 : vector<16xf32> to vector<1x16xf32>
        tpu.vector_store %arg11[%swap3A_244, %swap3A_245], %swap3A_248 {strides = array<i32>} : memref<80x128xf32, #tpu.memory_space<vmem>>, vector<1x16xf32>,
      }
      %scan3A_127 = arith.constant 80 : i32
      %add3A_128 = arith.constant 1 : i32
      %add3A_129 = arith.addi %mul3A_54, %add3A_128 : i32
      %mul3A_130 = arith.constant 80 : i32
      %mul3A_131 = arith.muli %add3A_129, %mul3A_130 : i32
      %add3A_132 = arith.addi %mul3A_2, %mul3A_131 : i32
      %multiple_of3A_133 = tpu.assume_multiple %add3A_132, 8 : i32
      %dma_start3A_134 = arith.constant 0 : i32
      %dma_start3A_135 = tpu.memref_slice %arg6[%multiple_of3A_133, %dma_start3A_134] : memref<320000x128xf32, #tpu.memory_space<hbm>> -> memref<80x128xf32, #tpu.memory_space<hbm>>
      %dma_start3A_136 = arith.constant 0 : i32
      %dma_start3A_137 = tpu.memref_slice %arg6[%multiple_of3A_133, %dma_start3A_136] : memref<320000x128xf32, #tpu.memory_space<hbm>> -> memref<80x128xf32, #tpu.memory_space<hbm>>
      tpu.enqueue_dma source(%arg11 : memref<80x128xf32, #tpu.memory_space<vmem>>) target(%dma_start3A_137 : memref<80x128xf32, #tpu.memory_space<hbm>>) target_semaphore(%arg16 : memref<!tpu.dma_semaphore, #tpu.memory_space<semaphore_mem>>)
    }
    %scan3A_15 = arith.constant 62 : i32
    %multiple_of3A_16 = arith.constant 9920 : i32
    %multiple_of3A_17 = tpu.assume_multiple %multiple_of3A_16, 8 : i32
    %dma_wait3A = tpu.memref_slice %arg7[%multiple_of3A_17] : memref<10000xi32, #tpu.memory_space<vmem>> -> memref<80xi32, #tpu.memory_space<vmem>>
    %dma_wait3A_18 = arith.constant 0 : i32
    %dma_wait3A_19 = arith.constant 0 : i32
    %dma_wait3A_20 = tpu.memref_slice %arg2[%dma_wait3A_18, %dma_wait3A_19] : memref<10000x128xf32, #tpu.memory_space<hbm>> -> memref<10000x128xf32, #tpu.memory_space<hbm>>
    tpu.wait_indirect_dma semaphore(%arg13 : memref<!tpu.dma_semaphore, #tpu.memory_space<semaphore_mem>>) src(%dma_wait3A_20 : memref<10000x128xf32, #tpu.memory_space<hbm>>) dst(%arg9 : memref<80x128xf32, #tpu.memory_space<vmem>>)
    %dma_wait3A_21 = tpu.memref_slice %arg8[%multiple_of3A_17] : memref<10000xi32, #tpu.memory_space<vmem>> -> memref<80xi32, #tpu.memory_space<vmem>>
    %dma_wait3A_22 = arith.constant 0 : i32
    %dma_wait3A_23 = arith.constant 0 : i32
    %dma_wait3A_24 = tpu.memref_slice %arg3[%dma_wait3A_22, %dma_wait3A_23] : memref<10000x128xf32, #tpu.memory_space<hbm>> -> memref<10000x128xf32, #tpu.memory_space<hbm>>
    tpu.wait_indirect_dma semaphore(%arg13 : memref<!tpu.dma_semaphore, #tpu.memory_space<semaphore_mem>>) src(%dma_wait3A_24 : memref<10000x128xf32, #tpu.memory_space<hbm>>) dst(%arg10 : memref<80x128xf32, #tpu.memory_space<vmem>>)
    %add3A_25 = arith.constant 9840 : i32
    %add3A_26 = arith.addi %mul3A_2, %add3A_25 : i32
    %multiple_of3A_27 = tpu.assume_multiple %add3A_26, 8 : i32
    %dma_wait3A_28 = arith.constant 0 : i32
    %dma_wait3A_29 = tpu.memref_slice %arg6[%multiple_of3A_27, %dma_wait3A_28] : memref<320000x128xf32, #tpu.memory_space<hbm>> -> memref<80x128xf32, #tpu.memory_space<hbm>>
    %dma_wait3A_30 = arith.constant 0 : i32
    %dma_wait3A_31 = tpu.memref_slice %arg6[%multiple_of3A_27, %dma_wait3A_30] : memref<320000x128xf32, #tpu.memory_space<hbm>> -> memref<80x128xf32, #tpu.memory_space<hbm>>
    tpu.wait_dma2 semaphore(%arg16 : memref<!tpu.dma_semaphore, #tpu.memory_space<semaphore_mem>>) src(%arg11 : memref<80x128xf32, #tpu.memory_space<vmem>>) dst(%dma_wait3A_31 : memref<80x128xf32, #tpu.memory_space<hbm>>)
    %scan3A_32 = arith.constant 0 : i32
    %scan3A_33 = arith.constant 0 : i32
    %scan3A_34 = arith.constant 80 : i32
    %scan3A_35 = arith.addi %scan3A_33, %scan3A_34 : i32
    %scan3A_36 = arith.constant 1 : i32
    scf.for %scan3A_52 = %scan3A_33 to %scan3A_35 step %scan3A_36  : i32 {
      %get3A = arith.index_cast %scan3A_52 : i32 to index
      %get3A_53 = arith.constant 0 : index
      %get3A_54 = tpu.vector_load %arg9[%get3A, %get3A_53] {strides = array<i32>} : memref<80x128xf32, #tpu.memory_space<vmem>>, vector<1x16xf32>,
      %get3A_55 = vector.shape_cast %get3A_54 : vector<1x16xf32> to vector<16xf32>
      %get3A_56 = arith.index_cast %scan3A_52 : i32 to index
      %get3A_57 = arith.constant 0 : index
      %get3A_58 = tpu.vector_load %arg10[%get3A_56, %get3A_57] {strides = array<i32>} : memref<80x128xf32, #tpu.memory_space<vmem>>, vector<1x16xf32>,
      %get3A_59 = vector.shape_cast %get3A_58 : vector<1x16xf32> to vector<16xf32>
      %add3A_60 = arith.addf %get3A_55, %get3A_59 : vector<16xf32>
      %swap3A = arith.index_cast %scan3A_52 : i32 to index
      %swap3A_61 = arith.constant 0 : index
      %swap3A_62 = tpu.vector_load %arg9[%swap3A, %swap3A_61] {strides = array<i32>} : memref<80x128xf32, #tpu.memory_space<vmem>>, vector<1x16xf32>,
      %swap3A_63 = vector.shape_cast %swap3A_62 : vector<1x16xf32> to vector<16xf32>
      %swap3A_64 = vector.shape_cast %add3A_60 : vector<16xf32> to vector<1x16xf32>
      tpu.vector_store %arg9[%swap3A, %swap3A_61], %swap3A_64 {strides = array<i32>} : memref<80x128xf32, #tpu.memory_space<vmem>>, vector<1x16xf32>,
      %get3A_65 = arith.index_cast %scan3A_52 : i32 to index
      %get3A_66 = arith.constant 16 : index
      %get3A_67 = tpu.vector_load %arg9[%get3A_65, %get3A_66] {strides = array<i32>} : memref<80x128xf32, #tpu.memory_space<vmem>>, vector<1x16xf32>,
      %get3A_68 = vector.shape_cast %get3A_67 : vector<1x16xf32> to vector<16xf32>
      %get3A_69 = arith.index_cast %scan3A_52 : i32 to index
      %get3A_70 = arith.constant 16 : index
      %get3A_71 = tpu.vector_load %arg10[%get3A_69, %get3A_70] {strides = array<i32>} : memref<80x128xf32, #tpu.memory_space<vmem>>, vector<1x16xf32>,
      %get3A_72 = vector.shape_cast %get3A_71 : vector<1x16xf32> to vector<16xf32>
      %add3A_73 = arith.addf %get3A_68, %get3A_72 : vector<16xf32>
      %swap3A_74 = arith.index_cast %scan3A_52 : i32 to index
      %swap3A_75 = arith.constant 16 : index
      %swap3A_76 = tpu.vector_load %arg9[%swap3A_74, %swap3A_75] {strides = array<i32>} : memref<80x128xf32, #tpu.memory_space<vmem>>, vector<1x16xf32>,
      %swap3A_77 = vector.shape_cast %swap3A_76 : vector<1x16xf32> to vector<16xf32>
      %swap3A_78 = vector.shape_cast %add3A_73 : vector<16xf32> to vector<1x16xf32>
      tpu.vector_store %arg9[%swap3A_74, %swap3A_75], %swap3A_78 {strides = array<i32>} : memref<80x128xf32, #tpu.memory_space<vmem>>, vector<1x16xf32>,
      %get3A_79 = arith.index_cast %scan3A_52 : i32 to index
      %get3A_80 = arith.constant 32 : index
      %get3A_81 = tpu.vector_load %arg9[%get3A_79, %get3A_80] {strides = array<i32>} : memref<80x128xf32, #tpu.memory_space<vmem>>, vector<1x16xf32>,
      %get3A_82 = vector.shape_cast %get3A_81 : vector<1x16xf32> to vector<16xf32>
      %get3A_83 = arith.index_cast %scan3A_52 : i32 to index
      %get3A_84 = arith.constant 32 : index
      %get3A_85 = tpu.vector_load %arg10[%get3A_83, %get3A_84] {strides = array<i32>} : memref<80x128xf32, #tpu.memory_space<vmem>>, vector<1x16xf32>,
      %get3A_86 = vector.shape_cast %get3A_85 : vector<1x16xf32> to vector<16xf32>
      %add3A_87 = arith.addf %get3A_82, %get3A_86 : vector<16xf32>
      %swap3A_88 = arith.index_cast %scan3A_52 : i32 to index
      %swap3A_89 = arith.constant 32 : index
      %swap3A_90 = tpu.vector_load %arg9[%swap3A_88, %swap3A_89] {strides = array<i32>} : memref<80x128xf32, #tpu.memory_space<vmem>>, vector<1x16xf32>,
      %swap3A_91 = vector.shape_cast %swap3A_90 : vector<1x16xf32> to vector<16xf32>
      %swap3A_92 = vector.shape_cast %add3A_87 : vector<16xf32> to vector<1x16xf32>
      tpu.vector_store %arg9[%swap3A_88, %swap3A_89], %swap3A_92 {strides = array<i32>} : memref<80x128xf32, #tpu.memory_space<vmem>>, vector<1x16xf32>,
      %get3A_93 = arith.index_cast %scan3A_52 : i32 to index
      %get3A_94 = arith.constant 48 : index
      %get3A_95 = tpu.vector_load %arg9[%get3A_93, %get3A_94] {strides = array<i32>} : memref<80x128xf32, #tpu.memory_space<vmem>>, vector<1x16xf32>,
      %get3A_96 = vector.shape_cast %get3A_95 : vector<1x16xf32> to vector<16xf32>
      %get3A_97 = arith.index_cast %scan3A_52 : i32 to index
      %get3A_98 = arith.constant 48 : index
      %get3A_99 = tpu.vector_load %arg10[%get3A_97, %get3A_98] {strides = array<i32>} : memref<80x128xf32, #tpu.memory_space<vmem>>, vector<1x16xf32>,
      %get3A_100 = vector.shape_cast %get3A_99 : vector<1x16xf32> to vector<16xf32>
      %add3A_101 = arith.addf %get3A_96, %get3A_100 : vector<16xf32>
      %swap3A_102 = arith.index_cast %scan3A_52 : i32 to index
      %swap3A_103 = arith.constant 48 : index
      %swap3A_104 = tpu.vector_load %arg9[%swap3A_102, %swap3A_103] {strides = array<i32>} : memref<80x128xf32, #tpu.memory_space<vmem>>, vector<1x16xf32>,
      %swap3A_105 = vector.shape_cast %swap3A_104 : vector<1x16xf32> to vector<16xf32>
      %swap3A_106 = vector.shape_cast %add3A_101 : vector<16xf32> to vector<1x16xf32>
      tpu.vector_store %arg9[%swap3A_102, %swap3A_103], %swap3A_106 {strides = array<i32>} : memref<80x128xf32, #tpu.memory_space<vmem>>, vector<1x16xf32>,
      %get3A_107 = arith.index_cast %scan3A_52 : i32 to index
      %get3A_108 = arith.constant 64 : index
      %get3A_109 = tpu.vector_load %arg9[%get3A_107, %get3A_108] {strides = array<i32>} : memref<80x128xf32, #tpu.memory_space<vmem>>, vector<1x16xf32>,
      %get3A_110 = vector.shape_cast %get3A_109 : vector<1x16xf32> to vector<16xf32>
      %get3A_111 = arith.index_cast %scan3A_52 : i32 to index
      %get3A_112 = arith.constant 64 : index
      %get3A_113 = tpu.vector_load %arg10[%get3A_111, %get3A_112] {strides = array<i32>} : memref<80x128xf32, #tpu.memory_space<vmem>>, vector<1x16xf32>,
      %get3A_114 = vector.shape_cast %get3A_113 : vector<1x16xf32> to vector<16xf32>
      %add3A_115 = arith.addf %get3A_110, %get3A_114 : vector<16xf32>
      %swap3A_116 = arith.index_cast %scan3A_52 : i32 to index
      %swap3A_117 = arith.constant 64 : index
      %swap3A_118 = tpu.vector_load %arg9[%swap3A_116, %swap3A_117] {strides = array<i32>} : memref<80x128xf32, #tpu.memory_space<vmem>>, vector<1x16xf32>,
      %swap3A_119 = vector.shape_cast %swap3A_118 : vector<1x16xf32> to vector<16xf32>
      %swap3A_120 = vector.shape_cast %add3A_115 : vector<16xf32> to vector<1x16xf32>
      tpu.vector_store %arg9[%swap3A_116, %swap3A_117], %swap3A_120 {strides = array<i32>} : memref<80x128xf32, #tpu.memory_space<vmem>>, vector<1x16xf32>,
      %get3A_121 = arith.index_cast %scan3A_52 : i32 to index
      %get3A_122 = arith.constant 80 : index
      %get3A_123 = tpu.vector_load %arg9[%get3A_121, %get3A_122] {strides = array<i32>} : memref<80x128xf32, #tpu.memory_space<vmem>>, vector<1x16xf32>,
      %get3A_124 = vector.shape_cast %get3A_123 : vector<1x16xf32> to vector<16xf32>
      %get3A_125 = arith.index_cast %scan3A_52 : i32 to index
      %get3A_126 = arith.constant 80 : index
      %get3A_127 = tpu.vector_load %arg10[%get3A_125, %get3A_126] {strides = array<i32>} : memref<80x128xf32, #tpu.memory_space<vmem>>, vector<1x16xf32>,
      %get3A_128 = vector.shape_cast %get3A_127 : vector<1x16xf32> to vector<16xf32>
      %add3A_129 = arith.addf %get3A_124, %get3A_128 : vector<16xf32>
      %swap3A_130 = arith.index_cast %scan3A_52 : i32 to index
      %swap3A_131 = arith.constant 80 : index
      %swap3A_132 = tpu.vector_load %arg9[%swap3A_130, %swap3A_131] {strides = array<i32>} : memref<80x128xf32, #tpu.memory_space<vmem>>, vector<1x16xf32>,
      %swap3A_133 = vector.shape_cast %swap3A_132 : vector<1x16xf32> to vector<16xf32>
      %swap3A_134 = vector.shape_cast %add3A_129 : vector<16xf32> to vector<1x16xf32>
      tpu.vector_store %arg9[%swap3A_130, %swap3A_131], %swap3A_134 {strides = array<i32>} : memref<80x128xf32, #tpu.memory_space<vmem>>, vector<1x16xf32>,
      %get3A_135 = arith.index_cast %scan3A_52 : i32 to index
      %get3A_136 = arith.constant 96 : index
      %get3A_137 = tpu.vector_load %arg9[%get3A_135, %get3A_136] {strides = array<i32>} : memref<80x128xf32, #tpu.memory_space<vmem>>, vector<1x16xf32>,
      %get3A_138 = vector.shape_cast %get3A_137 : vector<1x16xf32> to vector<16xf32>
      %get3A_139 = arith.index_cast %scan3A_52 : i32 to index
      %get3A_140 = arith.constant 96 : index
      %get3A_141 = tpu.vector_load %arg10[%get3A_139, %get3A_140] {strides = array<i32>} : memref<80x128xf32, #tpu.memory_space<vmem>>, vector<1x16xf32>,
      %get3A_142 = vector.shape_cast %get3A_141 : vector<1x16xf32> to vector<16xf32>
      %add3A_143 = arith.addf %get3A_138, %get3A_142 : vector<16xf32>
      %swap3A_144 = arith.index_cast %scan3A_52 : i32 to index
      %swap3A_145 = arith.constant 96 : index
      %swap3A_146 = tpu.vector_load %arg9[%swap3A_144, %swap3A_145] {strides = array<i32>} : memref<80x128xf32, #tpu.memory_space<vmem>>, vector<1x16xf32>,
      %swap3A_147 = vector.shape_cast %swap3A_146 : vector<1x16xf32> to vector<16xf32>
      %swap3A_148 = vector.shape_cast %add3A_143 : vector<16xf32> to vector<1x16xf32>
      tpu.vector_store %arg9[%swap3A_144, %swap3A_145], %swap3A_148 {strides = array<i32>} : memref<80x128xf32, #tpu.memory_space<vmem>>, vector<1x16xf32>,
      %get3A_149 = arith.index_cast %scan3A_52 : i32 to index
      %get3A_150 = arith.constant 112 : index
      %get3A_151 = tpu.vector_load %arg9[%get3A_149, %get3A_150] {strides = array<i32>} : memref<80x128xf32, #tpu.memory_space<vmem>>, vector<1x16xf32>,
      %get3A_152 = vector.shape_cast %get3A_151 : vector<1x16xf32> to vector<16xf32>
      %get3A_153 = arith.index_cast %scan3A_52 : i32 to index
      %get3A_154 = arith.constant 112 : index
      %get3A_155 = tpu.vector_load %arg10[%get3A_153, %get3A_154] {strides = array<i32>} : memref<80x128xf32, #tpu.memory_space<vmem>>, vector<1x16xf32>,
      %get3A_156 = vector.shape_cast %get3A_155 : vector<1x16xf32> to vector<16xf32>
      %add3A_157 = arith.addf %get3A_152, %get3A_156 : vector<16xf32>
      %swap3A_158 = arith.index_cast %scan3A_52 : i32 to index
      %swap3A_159 = arith.constant 112 : index
      %swap3A_160 = tpu.vector_load %arg9[%swap3A_158, %swap3A_159] {strides = array<i32>} : memref<80x128xf32, #tpu.memory_space<vmem>>, vector<1x16xf32>,
      %swap3A_161 = vector.shape_cast %swap3A_160 : vector<1x16xf32> to vector<16xf32>
      %swap3A_162 = vector.shape_cast %add3A_157 : vector<16xf32> to vector<1x16xf32>
      tpu.vector_store %arg9[%swap3A_158, %swap3A_159], %swap3A_162 {strides = array<i32>} : memref<80x128xf32, #tpu.memory_space<vmem>>, vector<1x16xf32>,
    }
    %scan3A_37 = arith.constant 80 : i32
    %add3A_38 = arith.constant 9920 : i32
    %add3A_39 = arith.addi %mul3A_2, %add3A_38 : i32
    %multiple_of3A_40 = tpu.assume_multiple %add3A_39, 8 : i32
    %dma_start3A_41 = arith.constant 0 : i32
    %dma_start3A_42 = tpu.memref_slice %arg6[%multiple_of3A_40, %dma_start3A_41] : memref<320000x128xf32, #tpu.memory_space<hbm>> -> memref<80x128xf32, #tpu.memory_space<hbm>>
    %dma_start3A_43 = arith.constant 0 : i32
    %dma_start3A_44 = tpu.memref_slice %arg6[%multiple_of3A_40, %dma_start3A_43] : memref<320000x128xf32, #tpu.memory_space<hbm>> -> memref<80x128xf32, #tpu.memory_space<hbm>>
    tpu.enqueue_dma source(%arg9 : memref<80x128xf32, #tpu.memory_space<vmem>>) target(%dma_start3A_44 : memref<80x128xf32, #tpu.memory_space<hbm>>) target_semaphore(%arg15 : memref<!tpu.dma_semaphore, #tpu.memory_space<semaphore_mem>>)
    %add3A_45 = arith.constant 9920 : i32
    %add3A_46 = arith.addi %mul3A_2, %add3A_45 : i32
    %multiple_of3A_47 = tpu.assume_multiple %add3A_46, 8 : i32
    %dma_wait3A_48 = arith.constant 0 : i32
    %dma_wait3A_49 = tpu.memref_slice %arg6[%multiple_of3A_47, %dma_wait3A_48] : memref<320000x128xf32, #tpu.memory_space<hbm>> -> memref<80x128xf32, #tpu.memory_space<hbm>>
    %dma_wait3A_50 = arith.constant 0 : i32
    %dma_wait3A_51 = tpu.memref_slice %arg6[%multiple_of3A_47, %dma_wait3A_50] : memref<320000x128xf32, #tpu.memory_space<hbm>> -> memref<80x128xf32, #tpu.memory_space<hbm>>
    tpu.wait_dma2 semaphore(%arg15 : memref<!tpu.dma_semaphore, #tpu.memory_space<semaphore_mem>>) src(%arg9 : memref<80x128xf32, #tpu.memory_space<vmem>>) dst(%dma_wait3A_51 : memref<80x128xf32, #tpu.memory_space<hbm>>)
    return
  }
}

module attributes {stable_mosaic.version = 14 : i64} {
  func.func @_proj_body(%arg0: i32, %arg1: memref<1000x128xf32, #tpu.memory_space<vmem>>, %arg2: memref<128x128xf32, #tpu.memory_space<vmem>>, %arg3: memref<128x128xf32, #tpu.memory_space<vmem>>, %arg4: memref<1000x128xf32, #tpu.memory_space<vmem>>, %arg5: memref<1000x128xf32, #tpu.memory_space<vmem>>) attributes {dimension_semantics = [#tpu.dimension_semantics<arbitrary>], iteration_bounds = array<i64: 10>, scalar_prefetch = 0 : i64, scratch_operands = 0 : i64, tpu.core_type = #tpu.core_type<tc>, window_params = [{transform_indices = @transform_0, window_bounds = array<i64: 1000, 128>}, {pipeline_mode = #tpu.pipeline_mode<synchronous>, transform_indices = @transform_1, window_bounds = array<i64: 128, 128>}, {pipeline_mode = #tpu.pipeline_mode<synchronous>, transform_indices = @transform_2, window_bounds = array<i64: 128, 128>}, {transform_indices = @transform_3, window_bounds = array<i64: 1000, 128>}, {transform_indices = @transform_4, window_bounds = array<i64: 1000, 128>}]} {
    %get3A = arith.constant 0 : index
    %get3A_0 = arith.constant 0 : index
    %get3A_1 = vector.load %arg1[%get3A, %get3A_0] : memref<1000x128xf32, #tpu.memory_space<vmem>>, vector<1000x128xf32>
    %get3A_2 = arith.constant 0 : index
    %get3A_3 = arith.constant 0 : index
    %get3A_4 = vector.load %arg2[%get3A_2, %get3A_3] : memref<128x128xf32, #tpu.memory_space<vmem>>, vector<128x128xf32>
    %dot_general3A = arith.constant dense<0.000000e+00> : vector<1000x128xf32>
    %dot_general3A_5 = tpu.matmul %get3A_1, %get3A_4, %dot_general3A {dimension_numbers = #tpu.dot_dimension_numbers<[1], [0], [0], [1], [0, 0, 1, 1], [], []>, transpose_lhs_hint = false} : vector<1000x128xf32>, vector<128x128xf32>, vector<1000x128xf32> -> vector<1000x128xf32>
    %swap3A = arith.constant 0 : index
    %swap3A_6 = arith.constant 0 : index
    %swap3A_7 = vector.load %arg4[%swap3A, %swap3A_6] : memref<1000x128xf32, #tpu.memory_space<vmem>>, vector<1000x128xf32>
    tpu.vector_store %arg4[%swap3A, %swap3A_6], %dot_general3A_5 {strides = array<i32>} : memref<1000x128xf32, #tpu.memory_space<vmem>>, vector<1000x128xf32>,
    %get3A_8 = arith.constant 0 : index
    %get3A_9 = arith.constant 0 : index
    %get3A_10 = vector.load %arg3[%get3A_8, %get3A_9] : memref<128x128xf32, #tpu.memory_space<vmem>>, vector<128x128xf32>
    %dot_general3A_11 = arith.constant dense<0.000000e+00> : vector<1000x128xf32>
    %dot_general3A_12 = tpu.matmul %get3A_1, %get3A_10, %dot_general3A_11 {dimension_numbers = #tpu.dot_dimension_numbers<[1], [0], [0], [1], [0, 0, 1, 1], [], []>, transpose_lhs_hint = false} : vector<1000x128xf32>, vector<128x128xf32>, vector<1000x128xf32> -> vector<1000x128xf32>
    %swap3A_13 = arith.constant 0 : index
    %swap3A_14 = arith.constant 0 : index
    %swap3A_15 = vector.load %arg5[%swap3A_13, %swap3A_14] : memref<1000x128xf32, #tpu.memory_space<vmem>>, vector<1000x128xf32>
    tpu.vector_store %arg5[%swap3A_13, %swap3A_14], %dot_general3A_12 {strides = array<i32>} : memref<1000x128xf32, #tpu.memory_space<vmem>>, vector<1000x128xf32>,
    return
  }
  func.func @transform_0(%arg0: i32) -> (i32, i32) {
    %c0_i32 = arith.constant 0 : i32
    %c0_i32_0 = arith.constant 0 : i32
    return %arg0, %c0_i32 : i32, i32
  }
  func.func @transform_1(%arg0: i32) -> (i32, i32) {
    %c0_i32 = arith.constant 0 : i32
    %c0_i32_0 = arith.constant 0 : i32
    %c0_i32_1 = arith.constant 0 : i32
    return %c0_i32, %c0_i32_0 : i32, i32
  }
  func.func @transform_2(%arg0: i32) -> (i32, i32) {
    %c0_i32 = arith.constant 0 : i32
    %c0_i32_0 = arith.constant 0 : i32
    %c0_i32_1 = arith.constant 0 : i32
    return %c0_i32, %c0_i32_0 : i32, i32
  }
  func.func @transform_3(%arg0: i32) -> (i32, i32) {
    %c0_i32 = arith.constant 0 : i32
    %c0_i32_0 = arith.constant 0 : i32
    return %arg0, %c0_i32 : i32, i32
  }
  func.func @transform_4(%arg0: i32) -> (i32, i32) {
    %c0_i32 = arith.constant 0 : i32
    %c0_i32_0 = arith.constant 0 : i32
    return %arg0, %c0_i32 : i32, i32
  }
}

module attributes {stable_mosaic.version = 14 : i64} {
  func.func @_final_body(%arg0: i32, %arg1: memref<6400x128xf32, #tpu.memory_space<vmem>>, %arg2: memref<6400x16xf32, #tpu.memory_space<vmem>>, %arg3: memref<200x128xf32, #tpu.memory_space<vmem>>, %arg4: memref<16x128xf32, #tpu.memory_space<vmem>>, %arg5: memref<1x128xf32, #tpu.memory_space<vmem>>, %arg6: memref<128x128xf32, #tpu.memory_space<vmem>>, %arg7: memref<128x128xf32, #tpu.memory_space<vmem>>, %arg8: memref<1x128xf32, #tpu.memory_space<vmem>>, %arg9: memref<200x128xf32, #tpu.memory_space<vmem>>) attributes {dimension_semantics = [#tpu.dimension_semantics<arbitrary>], iteration_bounds = array<i64: 50>, scalar_prefetch = 0 : i64, scratch_operands = 0 : i64, tpu.core_type = #tpu.core_type<tc>, window_params = [{transform_indices = @transform_0, window_bounds = array<i64: 6400, 128>}, {transform_indices = @transform_1, window_bounds = array<i64: 6400, 16>}, {transform_indices = @transform_2, window_bounds = array<i64: 200, 128>}, {pipeline_mode = #tpu.pipeline_mode<synchronous>, transform_indices = @transform_3, window_bounds = array<i64: 16, 128>}, {pipeline_mode = #tpu.pipeline_mode<synchronous>, transform_indices = @transform_4, window_bounds = array<i64: 1, 128>}, {pipeline_mode = #tpu.pipeline_mode<synchronous>, transform_indices = @transform_5, window_bounds = array<i64: 128, 128>}, {pipeline_mode = #tpu.pipeline_mode<synchronous>, transform_indices = @transform_6, window_bounds = array<i64: 128, 128>}, {pipeline_mode = #tpu.pipeline_mode<synchronous>, transform_indices = @transform_7, window_bounds = array<i64: 1, 128>}, {transform_indices = @transform_8, window_bounds = array<i64: 200, 128>}]} {
    %get3A = arith.constant 0 : index
    %get3A_0 = arith.constant 0 : index
    %get3A_1 = vector.load %arg1[%get3A, %get3A_0] : memref<6400x128xf32, #tpu.memory_space<vmem>>, vector<6400x128xf32>
    %get3A_2 = arith.constant 0 : index
    %get3A_3 = arith.constant 0 : index
    %get3A_4 = vector.load %arg2[%get3A_2, %get3A_3] : memref<6400x16xf32, #tpu.memory_space<vmem>>, vector<6400x16xf32>
    %get3A_5 = arith.constant 0 : index
    %get3A_6 = arith.constant 0 : index
    %get3A_7 = vector.load %arg4[%get3A_5, %get3A_6] : memref<16x128xf32, #tpu.memory_space<vmem>>, vector<16x128xf32>
    %dot_general3A = arith.constant dense<0.000000e+00> : vector<6400x128xf32>
    %dot_general3A_8 = tpu.matmul %get3A_4, %get3A_7, %dot_general3A {dimension_numbers = #tpu.dot_dimension_numbers<[1], [0], [0], [1], [0, 0, 1, 1], [], []>, transpose_lhs_hint = false} : vector<6400x16xf32>, vector<16x128xf32>, vector<6400x128xf32> -> vector<6400x128xf32>
    %add3A = arith.addf %get3A_1, %dot_general3A_8 : vector<6400x128xf32>
    %get3A_9 = arith.constant 0 : index
    %get3A_10 = arith.constant 0 : index
    %get3A_11 = vector.load %arg5[%get3A_9, %get3A_10] : memref<1x128xf32, #tpu.memory_space<vmem>>, vector<1x128xf32>
    %add3A_12 = vector.broadcast %get3A_11 : vector<1x128xf32> to vector<6400x128xf32>
    %add3A_13 = arith.addf %add3A, %add3A_12 : vector<6400x128xf32>
    %gt3A = arith.constant 0.000000e+00 : f32
    %gt3A_14 = vector.broadcast %gt3A : f32 to vector<6400x128xf32>
    %gt3A_15 = arith.cmpf ogt, %add3A_13, %gt3A_14 : vector<6400x128xf32>
    %min3A = arith.constant 0.000000e+00 : f32
    %min3A_16 = vector.broadcast %min3A : f32 to vector<6400x128xf32>
    %min3A_17 = arith.minimumf %add3A_13, %min3A_16 : vector<6400x128xf32>
    %exp3A = math.exp %min3A_17 : vector<6400x128xf32>
    %sub3A = arith.constant 1.000000e+00 : f32
    %sub3A_18 = vector.broadcast %sub3A : f32 to vector<6400x128xf32>
    %sub3A_19 = arith.subf %exp3A, %sub3A_18 : vector<6400x128xf32>
    %select_n3A = arith.select %gt3A_15, %add3A_13, %sub3A_19 : vector<6400x128xi1>, vector<6400x128xf32>
    %reshape3A = vector.shape_cast %select_n3A : vector<6400x128xf32> to vector<200x32x128xf32>
    %reduce_sum3A = arith.constant dense<0.000000e+00> : vector<200x128xf32>
    %reduce_sum3A_20 = vector.multi_reduction <add>, %reshape3A, %reduce_sum3A [1] : vector<200x32x128xf32> to vector<200x128xf32>
    %div3A = arith.constant 3.200000e+01 : f32
    %div3A_21 = vector.broadcast %div3A : f32 to vector<200x128xf32>
    %div3A_22 = arith.divf %reduce_sum3A_20, %div3A_21 : vector<200x128xf32>
    %get3A_23 = arith.constant 0 : index
    %get3A_24 = arith.constant 0 : index
    %get3A_25 = vector.load %arg3[%get3A_23, %get3A_24] : memref<200x128xf32, #tpu.memory_space<vmem>>, vector<200x128xf32>
    %get3A_26 = arith.constant 0 : index
    %get3A_27 = arith.constant 0 : index
    %get3A_28 = vector.load %arg6[%get3A_26, %get3A_27] : memref<128x128xf32, #tpu.memory_space<vmem>>, vector<128x128xf32>
    %dot_general3A_29 = arith.constant dense<0.000000e+00> : vector<200x128xf32>
    %dot_general3A_30 = tpu.matmul %get3A_25, %get3A_28, %dot_general3A_29 {dimension_numbers = #tpu.dot_dimension_numbers<[1], [0], [0], [1], [0, 0, 1, 1], [], []>, transpose_lhs_hint = false} : vector<200x128xf32>, vector<128x128xf32>, vector<200x128xf32> -> vector<200x128xf32>
    %get3A_31 = arith.constant 0 : index
    %get3A_32 = arith.constant 0 : index
    %get3A_33 = vector.load %arg7[%get3A_31, %get3A_32] : memref<128x128xf32, #tpu.memory_space<vmem>>, vector<128x128xf32>
    %dot_general3A_34 = arith.constant dense<0.000000e+00> : vector<200x128xf32>
    %dot_general3A_35 = tpu.matmul %div3A_22, %get3A_33, %dot_general3A_34 {dimension_numbers = #tpu.dot_dimension_numbers<[1], [0], [0], [1], [0, 0, 1, 1], [], []>, transpose_lhs_hint = false} : vector<200x128xf32>, vector<128x128xf32>, vector<200x128xf32> -> vector<200x128xf32>
    %add3A_36 = arith.addf %dot_general3A_30, %dot_general3A_35 : vector<200x128xf32>
    %get3A_37 = arith.constant 0 : index
    %get3A_38 = arith.constant 0 : index
    %get3A_39 = vector.load %arg8[%get3A_37, %get3A_38] : memref<1x128xf32, #tpu.memory_space<vmem>>, vector<1x128xf32>
    %add3A_40 = vector.broadcast %get3A_39 : vector<1x128xf32> to vector<200x128xf32>
    %add3A_41 = arith.addf %add3A_36, %add3A_40 : vector<200x128xf32>
    %swap3A = arith.constant 0 : index
    %swap3A_42 = arith.constant 0 : index
    %swap3A_43 = vector.load %arg9[%swap3A, %swap3A_42] : memref<200x128xf32, #tpu.memory_space<vmem>>, vector<200x128xf32>
    tpu.vector_store %arg9[%swap3A, %swap3A_42], %add3A_41 {strides = array<i32>} : memref<200x128xf32, #tpu.memory_space<vmem>>, vector<200x128xf32>,
    return
  }
  func.func @transform_0(%arg0: i32) -> (i32, i32) {
    %c0_i32 = arith.constant 0 : i32
    %c0_i32_0 = arith.constant 0 : i32
    return %arg0, %c0_i32 : i32, i32
  }
  func.func @transform_1(%arg0: i32) -> (i32, i32) {
    %c0_i32 = arith.constant 0 : i32
    %c0_i32_0 = arith.constant 0 : i32
    return %arg0, %c0_i32 : i32, i32
  }
  func.func @transform_2(%arg0: i32) -> (i32, i32) {
    %c0_i32 = arith.constant 0 : i32
    %c0_i32_0 = arith.constant 0 : i32
    return %arg0, %c0_i32 : i32, i32
  }
  func.func @transform_3(%arg0: i32) -> (i32, i32) {
    %c0_i32 = arith.constant 0 : i32
    %c0_i32_0 = arith.constant 0 : i32
    %c0_i32_1 = arith.constant 0 : i32
    return %c0_i32, %c0_i32_0 : i32, i32
  }
  func.func @transform_4(%arg0: i32) -> (i32, i32) {
    %c0_i32 = arith.constant 0 : i32
    %c0_i32_0 = arith.constant 0 : i32
    %c0_i32_1 = arith.constant 0 : i32
    return %c0_i32, %c0_i32_0 : i32, i32
  }
  func.func @transform_5(%arg0: i32) -> (i32, i32) {
    %c0_i32 = arith.constant 0 : i32
    %c0_i32_0 = arith.constant 0 : i32
    %c0_i32_1 = arith.constant 0 : i32
    return %c0_i32, %c0_i32_0 : i32, i32
  }
  func.func @transform_6(%arg0: i32) -> (i32, i32) {
    %c0_i32 = arith.constant 0 : i32
    %c0_i32_0 = arith.constant 0 : i32
    %c0_i32_1 = arith.constant 0 : i32
    return %c0_i32, %c0_i32_0 : i32, i32
  }
  func.func @transform_7(%arg0: i32) -> (i32, i32) {
    %c0_i32 = arith.constant 0 : i32
    %c0_i32_0 = arith.constant 0 : i32
    %c0_i32_1 = arith.constant 0 : i32
    return %c0_i32, %c0_i32_0 : i32, i32
  }
  func.func @transform_8(%arg0: i32) -> (i32, i32) {
    %c0_i32 = arith.constant 0 : i32
    %c0_i32_0 = arith.constant 0 : i32
    return %arg0, %c0_i32 : i32, i32
  }
}

</mosaic_0001>

<sc_bundles>
// kernel: kernel.5.cloned.1.call-start
scs
__scs_entry_jumppad:
0x0: {  	(pc) =	sbr.rel $0x88, $3  }
0x1: {  	(tag) =	ssettag $0x0;
	lr =	simm.s32 $0x1  }
0x2: {  	[smem:$0x3F9A] =	sst lr;
	_ =	strace $0xD0000000  }
0x3: {  	_ = 	snop  }
0x4: {  	_ = 	snop  }
0x5: {  	_ = 	snop  }
0x6: {  	_ = 	snop  }
0x7: {  	_ = 	snop  }
__scs_overlays_trampoline_lowered:
0x8: {  	[smem:$0x3FA9] =	sst s0  }
0x9: {  	[smem:$0x3FAA] =	sst s1  }
0xa: {  	[smem:$0x3FAB] =	sst s2  }
0xb: {  	[smem:$0x3FAC] =	sst s3  }
0xc: {  	[smem:$0x3FAD] =	sst s4  }
0xd: {  	[smem:$0x3FAE] =	sst s5  }
0xe: {  	[smem:$0x3FAF] =	sst s6  }
0xf: {  	[smem:$0x3FB0] =	sst s7  }
0x10: {  	[smem:$0x3FB1] =	sst s8  }
0x11: {  	[smem:$0x3FB2] =	sst s9;
	s0 =	simm.s32 @!p0 $0x0  }
0x12: {  	s1 =	sld [smem:$0x3F98];
	s0 =	simm.s32 @p0 $0x1  }
0x13: {  	[smem:$0x3FB3] =	sst s0;
	s0 =	simm.s32 @!p1 $0x0  }
0x14: {  	s2 =	sld [smem:$0x3F97];
	s0 =	simm.s32 @p1 $0x1  }
0x15: {  	[smem:$0x3FB4] =	sst s0;
	s0 =	simm.s32 @!p2 $0x0  }
0x16: {  	s3 =	sld [smem:$0x3FDB];
	s0 =	simm.s32 @p2 $0x1  }
0x17: {  	s4 =	simm.s32 $0x1BF5;
	[smem:$0x3FB6] =	sst s0  }
0x18: {  	s0 =	sld [smem:$0x3F99];
	_ =	swait.ge [sflag:s4], $0x0  }
0x19: {  	s7 =	sld [smem:$0x3F9A]  }
0x1a: {  	s8 =	sadd.s32 $0xFFFFE003, lr  }
0x1b: {  	s9 =	sadd.s32 $0xFFFFFEF7, lr;
	s5 =	simm.s32 $0xFFFFFFFF;
	p2 =	slt.u32 s8, $0xFFFFF086  }
0x1c: {  	p1 =	slt.u32 s9, $0xF7A;
	s5 =	simm.s32 @!p2 $0x0  }
0x1d: {  	s5 =	simm.s32 @p1 $0x1;
	p0 =	seq.s32 s7, s2  }
0x1e: {  	s7 =	smul.u32 @!p0 $0xF7A, s2;
	p2 =	seq.s32 @!p0 s5, $0x0  }
0x1f: {  	s9 =	smul.u32 $0xF7A, s1;
	s8 =	simm.s32 @!p0 $0x1BF5;
	p2 =	por !p2, p0  }
0x20: {  	[sflag:s8] =	ssyncset.s32 @!p0 $0xFFFFF086;
	s6 =	sadd.s32 @!p0 s3, s7;
	s7 =	simm.s32 @!p0 $0x108  }
0x21: {  	s3 =	sadd.s32 s3, s9;
	s6 =	sadd.s32 @!p0 $0x88, s6;
	s7 =	simm.s32 @p2 $0x1082  }
0x22: {  	[simem:s7], [sflag:s8] =	dma.local @!p0 [hbm:s6], $0xF7A  }
0x23: {  	s9 =	sor.u32 $0xD0000000, s2;
	s6 =	simm.s32 $0x108;
	_ =	swait.ge @!p0 [sflag:s8], $0x0  }
0x24: {  	s3 =	sadd.s32 $0x88, s3;
	s6 =	simm.s32 @!p1 $0x1082;
	[sflag:s4] =	ssyncset.s32 $0xFFFFF086  }
0x25: {  	[simem:s6], [sflag:s4] =	dma.local [hbm:s3], $0xF7A  }
0x26: {  	[smem:$0x3F9A] =	sst s1;
	(tag) =	ssettag s2;
	_ =	strace s9  }
0x27: {  	s1 =	sld [smem:$0x3FAA]  }
0x28: {  	s2 =	sld [smem:$0x3FAB]  }
0x29: {  	s4 =	sld [smem:$0x3FAD]  }
0x2a: {  	p0 =	seq.s32 s5, $0x0;
	s5 =	sld [smem:$0x3FAE]  }
0x2b: {  	s6 =	sld [smem:$0x3FAF]  }
0x2c: {  	s7 =	sld [smem:$0x3FB0]  }
0x2d: {  	s3 =	simm.s32 $0x108;
	s8 =	sld [smem:$0x3FB1]  }
0x2e: {  	s3 =	simm.s32 @!p0 $0x1082;
	s9 =	sld [smem:$0x3FB2]  }
0x2f: {  	lr =	sadd.s32 s0, s3;
	s0 =	sld [smem:$0x3FA9]  }
0x30: {  	s3 =	sld [smem:$0x3FAC]  }
0x31: {  	[smem:$0x3FB5] =	sst s10  }
0x32: {  	s10 =	sld [smem:$0x3FB3];
	_ =	sdelay $0x3  }
0x33: {  	p0 =	seq.s32 s10, $0x1;
	s10 =	sld [smem:$0x3FB5];
	_ =	sdelay $0x3  }
0x34: {  	[smem:$0x3FB5] =	sst s10  }
0x35: {  	s10 =	sld [smem:$0x3FB4];
	_ =	sdelay $0x3  }
0x36: {  	p1 =	seq.s32 s10, $0x1;
	s10 =	sld [smem:$0x3FB5];
	_ =	sdelay $0x3  }
0x37: {  	[smem:$0x3FB5] =	sst s10  }
0x38: {  	s10 =	sld [smem:$0x3FB6]  }
0x39: {  	_ = 	snop;
	(pc) =	sbr.ind lr, $3  }
0x3a: {  	_ = 	snop  }
0x3b: {  	_ = 	snop  }
0x3c: {  	p2 =	seq.s32 s10, $0x1;
	s10 =	sld [smem:$0x3FB5]  }
0x3d: {  	_ =	shalt  }
0x3e: {  	_ =	shalt  }
0x3f: {  	_ =	shalt  }
0x40: {  	_ =	shalt  }
0x41: {  	_ =	shalt  }
0x42: {  	_ =	shalt  }
0x43: {  	_ =	shalt  }
0x44: {  	_ =	shalt  }
0x45: {  	_ =	shalt  }
0x46: {  	_ =	shalt  }
0x47: {  	_ =	shalt  }
0x48: {  	_ =	shalt  }
0x49: {  	_ =	shalt  }
0x4a: {  	_ =	shalt  }
0x4b: {  	_ =	shalt  }
0x4c: {  	_ =	shalt  }
0x4d: {  	_ =	shalt  }
0x4e: {  	_ =	shalt  }
0x4f: {  	_ =	shalt  }
0x50: {  	_ =	shalt  }
0x51: {  	_ =	shalt  }
0x52: {  	_ =	shalt  }
0x53: {  	_ =	shalt  }
0x54: {  	_ =	shalt  }
0x55: {  	_ =	shalt  }
0x56: {  	_ =	shalt  }
0x57: {  	_ =	shalt  }
0x58: {  	_ =	shalt  }
0x59: {  	_ =	shalt  }
0x5a: {  	_ =	shalt  }
0x5b: {  	_ =	shalt  }
0x5c: {  	_ =	shalt  }
0x5d: {  	_ =	shalt  }
0x5e: {  	_ =	shalt  }
0x5f: {  	_ =	shalt  }
0x60: {  	_ =	shalt  }
0x61: {  	_ =	shalt  }
0x62: {  	_ =	shalt  }
0x63: {  	_ =	shalt  }
0x64: {  	_ =	shalt  }
0x65: {  	_ =	shalt  }
0x66: {  	_ =	shalt  }
0x67: {  	_ =	shalt  }
0x68: {  	_ =	shalt  }
0x69: {  	_ =	shalt  }
0x6a: {  	_ =	shalt  }
0x6b: {  	_ =	shalt  }
0x6c: {  	_ =	shalt  }
0x6d: {  	_ =	shalt  }
0x6e: {  	_ =	shalt  }
0x6f: {  	_ =	shalt  }
0x70: {  	_ =	shalt  }
0x71: {  	_ =	shalt  }
0x72: {  	_ =	shalt  }
0x73: {  	_ =	shalt  }
0x74: {  	_ =	shalt  }
0x75: {  	_ =	shalt  }
0x76: {  	_ =	shalt  }
0x77: {  	_ =	shalt  }
0x78: {  	_ =	shalt  }
0x79: {  	_ =	shalt  }
0x7a: {  	_ =	shalt  }
0x7b: {  	_ =	shalt  }
0x7c: {  	_ =	shalt  }
0x7d: {  	_ =	shalt  }
0x7e: {  	_ =	shalt  }
0x7f: {  	_ =	shalt  }
0x80: {  	_ =	shalt  }
0x81: {  	_ =	shalt  }
0x82: {  	_ =	shalt  }
0x83: {  	_ =	shalt  }
0x84: {  	_ =	shalt  }
0x85: {  	_ =	shalt  }
0x86: {  	_ =	shalt  }
0x87: {  	_ =	shalt  }
.Lfunc_end0:
.L_simem_size_0:
called_computation_lowered:
.L_overlay_start_0:
0x88: {  	s2 =	sld [smem:$0x3FD9]  }
0x89: {  	s3 =	sld [smem:$0x3FFE];
	_ =	sdelay $0x1  }
0x8a: {  	s1 =	srdreg.scid  }
0x8b: {  	s0 =	sand.u32 $0x1, s1  }
0x8c: {  	s17 =	sshll.u32 s0, $0xA;
	s2 =	sadd.s32 s3, s2  }
0x8d: {  	s2 =	sadd.s32 s2, s17  }
0x8e: {  	[smem:$0x3FC1] =	sst s2  }
0x8f: {  	_ = 	snop  }
0x90: {  	s2 =	sld [smem:$0x3FD0];
	(tm) =	ssettm $0x1  }
0x91: {  	s18 =	sld [smem:$0x3FFB];
	_ =	sdelay $0x3  }
0x92: {  	_ =	strace s18  }
0x93: {  	s3 =	sld [smem:$0x3FFC];
	_ =	sdelay $0x3  }
0x94: {  	_ =	strace s3  }
0x95: {  	s3 =	sld [smem:$0x3FFD];
	_ =	sdelay $0x3  }
0x96: {  	_ =	strace s3  }
0x97: {  	_ =	strace $0x8FFFFFFF  }
0x98: {  	s19 =	sld [smem:$0x3FDB];
	_ =	sdelay $0x1  }
0x99: {  	s4 =	simm.s32 $_scs_section_size  }
0x9a: {  	s5 =	simm.s32 $_size__tile_overlayer_lowered;
	s6 =	simm.s32 $_tile_overlayer_lowered  }
0x9b: {  	s22 =	simm.s32 $0x1BFF;
	s21 =	sshll.u32 s6, $0x1;
	s3 =	sadd.s32 s4, s19  }
0x9c: {  	s7 =	simm.s32 $0x0;
	s20 =	sshll.u32 s5, $0x1;
	s5 =	sadd.s32 s21, s3  }
0x9d: {  	[timem:s7], [sflag:s22] =	dma.local [hbm:s5], s20  }
0x9e: {  	_ =	swait.ge [sflag:s22], s20  }
0x9f: {  	s4 =	ssub.s32 $0x0, s20;
	[sflag:s22] =	ssyncset.done $0x0  }
0xa0: {  	[sflag:s22] =	ssyncadd.s32 s4;
	_ =	sdelay $0x1  }
0xa1: {  	s23 =	simm.s32 $0x1B8B  }
0xa2: {  	_ =	swait.ge [sflag:s23], $0x1  }
0xa3: {  	[sflag:s23] =	ssyncset.done $0x0  }
0xa4: {  	s25 =	simm.s32 $0x1B8E;
	s24 =	sld [smem:$0x3FFE];
	[sflag:s23] =	ssyncadd.s32 $0xFFFFFFFF  }
0xa5: {  	s26 =	simm.s32 $execute0_lowered;
	[smem:$0x3FD2] =	sst s25  }
0xa6: {  	s5 =	sshll.u32 s26, $0x1;
	_ =	strace $0x80000046;
	[dreg:$0x1] =	wrdreg $0xFFFFFFFF  }
0xa7: {  	s28 =	simm.s32 $_size_execute0_lowered;
	s3 =	sadd.s32 s3, s5;
	[dreg:$0x0] =	wrdreg $0x0  }
0xa8: {  	s5 =	sshll.u32 s28, $0x1;
	[dreg:$0x2] =	wrdreg s3  }
0xa9: {  	[dreg:$0x3] =	wrdreg s5  }
0xaa: {  	[dreg:$0x4] =	wrdreg $0xC0  }
0xab: {  	_ =	task [dreg:s7], $0x5FFFF  }
0xac: {  	[dreg:$0x1] =	wrdreg $0xFFFFFFFF  }
0xad: {  	[dreg:$0x0] =	wrdreg $0x60  }
0xae: {  	[dreg:$0x2] =	wrdreg s2  }
0xaf: {  	[dreg:$0x3] =	wrdreg s24  }
0xb0: {  	[dreg:$0x4] =	wrdreg $0x9  }
0xb1: {  	_ =	task.clear_ibuf [dreg:s7], $0x5FFFF;
	_ =	strace $0x90000046  }
0xb2: {  	s29 =	simm.s32 $0x9;
	_ =	strace $0x80000048  }
0xb3: {  	_ =	swait.ge [sflag:s29], $0x1  }
0xb4: {  	[sflag:s29] =	ssyncadd.s32 $0xFFFFFFFF  }
0xb5: {  	_ =	strace $0x90000048  }
0xb6: {  	_ =	sfence  }
0xb7: {  	s30 =	sld [smem:$0x0];
	_ =	sdelay $0x2  }
0xb8: {  	s31 =	sshll.u32 s1, $0xD;
	s1 =	sshrl.u32 s1, $0x2  }
0xb9: {  	s3 =	sand.u32 $0x4000, s31;
	s1 =	sadd.s32 s1, s30  }
0xba: {  	s0 =	sor.u32 s3, s0;
	s1 =	sshll.u32 s1, $0x11  }
0xbb: {  	s0 =	sor.u32 s1, s0  }
0xbc: {  	s0 =	sadd.s32 $0x8F2B, s0  }
0xbd: {  	[sflag:s0] =	ssyncadd.remote.s32 $0x1  }
0xbe: {  	_ =	sfence.sel $0xFFFF  }
0xbf: {  	[dreg:$0x0] =	wrdreg $0xFFFFFFFF;
	(pc) =	sbr.abs _section_cstart, $3  }
0xc0: {  	[dreg:$0x1] =	wrdreg $0xFFFFFFFF  }
0xc1: {  	_ =	task.clear_ibuf [dreg:s7], $0x2FFFF;
	_ =	strace $0x9FFFFFFF  }
0xc2: {  	(tm) =	ssettm $0x7FFFFFFF  }
0xc3: {  	_ =	shalt  }
tec
execute0_lowered:
.L_overlay_start_1:
0x0: {  	(tag) =	ssettag $0x1  }
0x1: {  	s1 =	srdreg.scid;
	s2 =	rddreg [dreg:$0x0]  }
0x2: {  	s0 =	stileid.u32;
	s7 =	rddreg [dreg:$0x1];
	s3 =	simm.s32 $0x0  }
0x3: {  	s11 =	simm.s32 $0x5;
	s12 =	simm.s32 $0x2780;
	s13 =	simm.s32 $0x50  }
0x4: {  	s14 =	simm.s32 $0x4F00;
	s15 =	simm.s32 $0x7700;
	s16 =	simm.s32 $0x1  }
0x5: {  	s17 =	simm.s32 $0x9F00;
	s18 =	simm.s32 $0xC700;
	s19 =	simm.s32 $0x2  }
0x6: {  	s20 =	simm.s32 $0x3;
	s6 =	sand.u32 $0x1, s1;
	s30 =	sshll.u32 s0, $0x1  }
0x7: {  	s21 =	simm.s32 $0x4;
	s1 =	rddreg [dreg:$0x2];
	s5 =	sor.u32 s6, s30  }
0x8: {  	s22 =	simm.s32 $0x0;
	[smem:$0x7FF] =	sst s3;
	s4 =	smul.u32 $0x2710, s5  }
0x9: {  	_ =	strace $0x80000047;
	s10 =	ssub.s32 $0x2, s6;
	s9 =	smul.u32 $0x138800, s5  }
0xa: {  	s6 =	sadd.s32 $0x3C400, s7;
	s5 =	sadd.s32 $0x15200, s7;
	s31 =	sshrl.u32 s10, $0x1  }
0xb: {  	s10 =	ssub.s32 s10, s31;
	s8 =	sshrl.u32 s4, $0x3;
	s9 =	sshrl.u32 s9, $0x3  }
0xc: {  	s10 =	smax.u32 s10, $0x1;
	s8 =	sadd.s32 s8, s7;
	s9 =	sadd.s32 s6, s9  }
0xd: {  	s7 =	sadd.s32 $0xB400, s8;
	s8 =	sadd.s32 $0x1600, s8;
	s9 =	sadd.s32 $0x26C00, s9  }
.LBB2_1:
0xe: {  	[tilespmem:s3], [sflag:$0x5] =	stream.linear.gather [hbm4b:s7+s3], $0x2710, $0x38;
	[tilespmem:$0xEF00] =	vst v63  }
0xf: {  	_ =	swait.ge [sflag:s11], $0x2710  }
0x10: {  	[sflag:s11] =	ssyncset.done $0x0  }
0x11: {  	[sflag:s11] =	ssyncadd.s32 $0xFFFFD8F0  }
0x12: {  	[tilespmem:s12], [sflag:$0x5] =	stream.linear.gather [hbm4b:s8+s3], $0x2710, $0x38;
	[tilespmem:$0xEF00] =	vst v63  }
0x13: {  	_ =	swait.ge [sflag:s11], $0x2710  }
0x14: {  	[sflag:s11] =	ssyncset.done $0x0  }
0x15: {  	[sflag:s11] =	ssyncadd.s32 $0xFFFFD8F0  }
0x16: {  	[tilespmem:s14], [sflag:$0x1] =	stream.indirect.gather [hbm4b:s2+s13], $0x80, s3, s13, $0xb8;
	[tilespmem:$0xEF00] =	vst v63  }
0x17: {  	s23 =	simm.s32 $0x0  }
0x18: {  	[tilespmem:s15], [sflag:$0x1] =	stream.indirect.gather [hbm4b:s5+s13], $0x80, s12, s13, $0xb8;
	[tilespmem:$0xEF00] =	vst v63  }
.LBB2_2:
0x19: {  	_ =	swait.ge [sflag:s16], $0x2800  }
0x1a: {  	[sflag:s16] =	ssyncset.done $0x0  }
0x1b: {  	[sflag:s16] =	ssyncadd.s32 $0xFFFFD800  }
0x1c: {  	_ =	swait.ge [sflag:s16], $0x2800  }
0x1d: {  	p0 =	seq.s32 s23, $0x0;
	[sflag:s16] =	ssyncset.done $0x0  }
0x1e: {  	s24 =	simm.s32 @!p0 $0x4;
	[sflag:s16] =	ssyncadd.s32 $0xFFFFD800  }
0x1f: {  	s25 =	smul.u32 $0xA0, s23;
	_ =	swait.ge @!p0 [sflag:s24], $0x2800  }
0x20: {  	[sflag:s24] =	ssyncset.done @!p0 $0x0  }
0x21: {  	[sflag:s24] =	ssyncadd.s32 @!p0 $0xFFFFD800;
	s24 =	sadd.s32 $0x50, s25  }
0x22: {  	[tilespmem:s17], [sflag:$0x2] =	stream.indirect.gather [hbm4b:s2+s13], $0x80, s24, s13, $0xb8;
	[tilespmem:$0xEF00] =	vst v63  }
0x23: {  	s26 =	sadd.s32 $0x27D0, s25  }
0x24: {  	[tilespmem:s18], [sflag:$0x2] =	stream.indirect.gather [hbm4b:s5+s13], $0x80, s26, s13, $0xb8;
	[tilespmem:$0xEF00] =	vst v63  }
0x25: {  	s26 =	simm.s32 $0x0  }
0x26: {  	v7 =	vld [tilespmem:s26+$0x7700]  }
0x27: {  	v11 =	vld [tilespmem:s26+$0x7710]  }
0x28: {  	v5 =	vld [tilespmem:s26+$0x7720]  }
0x29: {  	v4 =	vld [tilespmem:s26+$0x7730]  }
0x2a: {  	v3 =	vld [tilespmem:s26+$0x7740]  }
0x2b: {  	v2 =	vld [tilespmem:s26+$0x7750]  }
0x2c: {  	v1 =	vld [tilespmem:s26+$0x7760]  }
0x2d: {  	v0 =	vld [tilespmem:s26+$0x7770]  }
0x2e: {  	v12 =	vld [tilespmem:s26+$0x4F00]  }
0x2f: {  	v13 =	vld [tilespmem:s26+$0x4F10]  }
0x30: {  	v10 =	vld [tilespmem:s26+$0x4F20]  }
0x31: {  	v9 =	vld [tilespmem:s26+$0x4F30]  }
0x32: {  	v8 =	vld [tilespmem:s26+$0x4F40]  }
0x33: {  	v6 =	vld [tilespmem:s26+$0x4F50];
	v12 =	vadd.f32 v7, v12  }
0x34: {  	s28 =	simm.s32 $0x200;
	v11 =	vadd.f32 v11, v13;
	v7 =	vld [tilespmem:s26+$0x4F60]  }
.LBB2_3:
0x35: {  	s29 =	sshra.s32 s28, $0x2;
	p0 =	sne.s32 s28, $0x9E00;
	[tilespmem:s26+$0x4F00] =	vst v12;
	v5 =	vadd.f32 v5, v10;
	v10 =	vld [tilespmem:s26+$0x4F70]  }
0x36: {  	v12 =	vld [tilespmem:s29+$0x7700];
	[tilespmem:s26+$0x4F10] =	vst v11;
	v4 =	vadd.f32 v4, v9  }
0x37: {  	v11 =	vld [tilespmem:s29+$0x7710];
	[tilespmem:s26+$0x4F20] =	vst v5;
	v3 =	vadd.f32 v3, v8  }
0x38: {  	v5 =	vld [tilespmem:s29+$0x7720];
	[tilespmem:s26+$0x4F30] =	vst v4;
	v2 =	vadd.f32 v2, v6  }
0x39: {  	v4 =	vld [tilespmem:s29+$0x7730];
	[tilespmem:s26+$0x4F40] =	vst v3;
	v1 =	vadd.f32 v1, v7  }
0x3a: {  	v3 =	vld [tilespmem:s29+$0x7740];
	[tilespmem:s26+$0x4F50] =	vst v2;
	v0 =	vadd.f32 v0, v10  }
0x3b: {  	v2 =	vld [tilespmem:s29+$0x7750];
	[tilespmem:s26+$0x4F60] =	vst v1  }
0x3c: {  	v1 =	vld [tilespmem:s29+$0x7760];
	[tilespmem:s26+$0x4F70] =	vst v0;
	s26 =	smov.u32 s29  }
0x3d: {  	v0 =	vld [tilespmem:s26+$0x7770]  }
0x3e: {  	v6 =	vld [tilespmem:s26+$0x4F00]  }
0x3f: {  	v7 =	vld [tilespmem:s26+$0x4F10]  }
.Ltmp0:
0x40: {  	v10 =	vld [tilespmem:s26+$0x4F20];
	(pc) =	sbr.rel @p0 .LBB2_3-.Ltmp0, $4  }
0x41: {  	v9 =	vld [tilespmem:s26+$0x4F30]  }
0x42: {  	v8 =	vld [tilespmem:s26+$0x4F40]  }
0x43: {  	v12 =	vadd.f32 v12, v6;
	v6 =	vld [tilespmem:s26+$0x4F50]  }
0x44: {  	s28 =	sadd.s32 $0x200, s28;
	v11 =	vadd.f32 v11, v7;
	v7 =	vld [tilespmem:s26+$0x4F60]  }
0x45: {  	[tilespmem:s26+$0x4F00] =	vst v12;
	v5 =	vadd.f32 v5, v10;
	v10 =	vld [tilespmem:s26+$0x4F70]  }
0x46: {  	[tilespmem:s26+$0x4F10] =	vst v11;
	v4 =	vadd.f32 v4, v9  }
0x47: {  	[tilespmem:s26+$0x4F20] =	vst v5;
	v3 =	vadd.f32 v3, v8  }
0x48: {  	[tilespmem:s26+$0x4F30] =	vst v4;
	v2 =	vadd.f32 v2, v6  }
0x49: {  	[tilespmem:s26+$0x4F40] =	vst v3;
	v1 =	vadd.f32 v1, v7  }
0x4a: {  	s28 =	sadd.s32 s4, s25;
	[tilespmem:s26+$0x4F50] =	vst v2;
	v0 =	vadd.f32 v0, v10  }
0x4b: {  	s28 =	sshll.u32 s28, $0x4;
	[tilespmem:s26+$0x4F60] =	vst v1  }
0x4c: {  	s29 =	simm.s32 $0x0;
	s31 =	sadd.s32 s6, s28;
	[tilespmem:s26+$0x4F70] =	vst v0  }
0x4d: {  	[hbm4b:s31+s29] =	stream.linear.scatter [tilespmem:s14], [sflag:$0x3], $0x2800, $0x38;
	[tilespmem:$0xEF00] =	vst v63  }
0x4e: {  	_ =	swait.ge [sflag:s19], $0x2800  }
0x4f: {  	[sflag:s19] =	ssyncset.done $0x0  }
0x50: {  	[sflag:s19] =	ssyncadd.s32 $0xFFFFD800  }
0x51: {  	_ =	swait.ge [sflag:s19], $0x2800  }
0x52: {  	[sflag:s19] =	ssyncset.done $0x0  }
0x53: {  	[sflag:s19] =	ssyncadd.s32 $0xFFFFD800  }
0x54: {  	_ =	swait.ge [sflag:s20], $0x2800  }
0x55: {  	[sflag:s20] =	ssyncset.done $0x0  }
0x56: {  	s30 =	sadd.s32 $0xA0, s25;
	[sflag:s20] =	ssyncadd.s32 $0xFFFFD800  }
0x57: {  	[tilespmem:s14], [sflag:$0x1] =	stream.indirect.gather [hbm4b:s2+s13], $0x80, s30, s13, $0xb8;
	[tilespmem:$0xEF00] =	vst v63  }
0x58: {  	s31 =	sadd.s32 $0x2820, s25;
	s25 =	simm.s32 $0x0  }
0x59: {  	[tilespmem:s15], [sflag:$0x1] =	stream.indirect.gather [hbm4b:s5+s13], $0x80, s31, s13, $0xb8;
	[tilespmem:$0xEF00] =	vst v63  }
0x5a: {  	v7 =	vld [tilespmem:s25+$0xC700]  }
0x5b: {  	v11 =	vld [tilespmem:s25+$0xC710]  }
0x5c: {  	v5 =	vld [tilespmem:s25+$0xC720]  }
0x5d: {  	v4 =	vld [tilespmem:s25+$0xC730]  }
0x5e: {  	v3 =	vld [tilespmem:s25+$0xC740]  }
0x5f: {  	v2 =	vld [tilespmem:s25+$0xC750]  }
0x60: {  	v1 =	vld [tilespmem:s25+$0xC760]  }
0x61: {  	v0 =	vld [tilespmem:s25+$0xC770]  }
0x62: {  	v12 =	vld [tilespmem:s25+$0x9F00]  }
0x63: {  	v13 =	vld [tilespmem:s25+$0x9F10]  }
0x64: {  	v10 =	vld [tilespmem:s25+$0x9F20]  }
0x65: {  	v9 =	vld [tilespmem:s25+$0x9F30]  }
0x66: {  	v8 =	vld [tilespmem:s25+$0x9F40]  }
0x67: {  	v6 =	vld [tilespmem:s25+$0x9F50];
	v12 =	vadd.f32 v7, v12  }
0x68: {  	s26 =	simm.s32 $0x200;
	v11 =	vadd.f32 v11, v13;
	v7 =	vld [tilespmem:s25+$0x9F60]  }
.LBB2_5:
0x69: {  	s28 =	sshra.s32 s26, $0x2;
	p0 =	sne.s32 s26, $0x9E00;
	[tilespmem:s25+$0x9F00] =	vst v12;
	v5 =	vadd.f32 v5, v10;
	v10 =	vld [tilespmem:s25+$0x9F70]  }
0x6a: {  	v12 =	vld [tilespmem:s28+$0xC700];
	[tilespmem:s25+$0x9F10] =	vst v11;
	v4 =	vadd.f32 v4, v9  }
0x6b: {  	v11 =	vld [tilespmem:s28+$0xC710];
	[tilespmem:s25+$0x9F20] =	vst v5;
	v3 =	vadd.f32 v3, v8  }
0x6c: {  	v5 =	vld [tilespmem:s28+$0xC720];
	[tilespmem:s25+$0x9F30] =	vst v4;
	v2 =	vadd.f32 v2, v6  }
0x6d: {  	v4 =	vld [tilespmem:s28+$0xC730];
	[tilespmem:s25+$0x9F40] =	vst v3;
	v1 =	vadd.f32 v1, v7  }
0x6e: {  	v3 =	vld [tilespmem:s28+$0xC740];
	[tilespmem:s25+$0x9F50] =	vst v2;
	v0 =	vadd.f32 v0, v10  }
0x6f: {  	v2 =	vld [tilespmem:s28+$0xC750];
	[tilespmem:s25+$0x9F60] =	vst v1  }
0x70: {  	v1 =	vld [tilespmem:s28+$0xC760];
	[tilespmem:s25+$0x9F70] =	vst v0;
	s25 =	smov.u32 s28  }
0x71: {  	v0 =	vld [tilespmem:s25+$0xC770]  }
0x72: {  	v6 =	vld [tilespmem:s25+$0x9F00]  }
0x73: {  	v7 =	vld [tilespmem:s25+$0x9F10]  }
.Ltmp1:
0x74: {  	v10 =	vld [tilespmem:s25+$0x9F20];
	(pc) =	sbr.rel @p0 .LBB2_5-.Ltmp1, $4  }
0x75: {  	v9 =	vld [tilespmem:s25+$0x9F30]  }
0x76: {  	v8 =	vld [tilespmem:s25+$0x9F40]  }
0x77: {  	v12 =	vadd.f32 v12, v6;
	v6 =	vld [tilespmem:s25+$0x9F50]  }
0x78: {  	s26 =	sadd.s32 $0x200, s26;
	v11 =	vadd.f32 v11, v7;
	v7 =	vld [tilespmem:s25+$0x9F60]  }
0x79: {  	[tilespmem:s25+$0x9F00] =	vst v12;
	v5 =	vadd.f32 v5, v10;
	v63 =	vld [tilespmem:s25+$0x9F70]  }
0x7a: {  	[tilespmem:s25+$0x9F10] =	vst v11;
	v4 =	vadd.f32 v4, v9  }
0x7b: {  	s23 =	sadd.s32 $0x1, s23;
	[tilespmem:s25+$0x9F20] =	vst v5;
	v3 =	vadd.f32 v3, v8  }
0x7c: {  	p0 =	sne.s32 s23, $0x3E;
	[tilespmem:s25+$0x9F30] =	vst v4;
	v2 =	vadd.f32 v2, v6  }
.Ltmp2:
0x7d: {  	[tilespmem:s25+$0x9F40] =	vst v3;
	v1 =	vadd.f32 v1, v7;
	(pc) =	sbr.rel @p0 .LBB2_2-.Ltmp2, $4  }
0x7e: {  	s24 =	sadd.s32 s4, s24;
	[tilespmem:s25+$0x9F50] =	vst v2;
	v0 =	vadd.f32 v0, v63  }
0x7f: {  	s24 =	sshll.u32 s24, $0x4;
	[tilespmem:s25+$0x9F60] =	vst v1  }
0x80: {  	s24 =	sadd.s32 s6, s24;
	[tilespmem:s25+$0x9F70] =	vst v0  }
0x81: {  	[hbm4b:s24+s3] =	stream.linear.scatter [tilespmem:s17], [sflag:$0x4], $0x2800, $0x38;
	[tilespmem:$0xEF00] =	vst v63  }
0x82: {  	_ =	swait.ge [sflag:s16], $0x2800  }
0x83: {  	[sflag:s16] =	ssyncset.done $0x0  }
0x84: {  	[sflag:s16] =	ssyncadd.s32 $0xFFFFD800  }
0x85: {  	_ =	swait.ge [sflag:s16], $0x2800  }
0x86: {  	[sflag:s16] =	ssyncset.done $0x0  }
0x87: {  	[sflag:s16] =	ssyncadd.s32 $0xFFFFD800  }
0x88: {  	_ =	swait.ge [sflag:s21], $0x2800  }
0x89: {  	[sflag:s21] =	ssyncset.done $0x0  }
0x8a: {  	s23 =	simm.s32 $0x0;
	[sflag:s21] =	ssyncadd.s32 $0xFFFFD800  }
0x8b: {  	v7 =	vld [tilespmem:s23+$0x7700]  }
0x8c: {  	v11 =	vld [tilespmem:s23+$0x7710]  }
0x8d: {  	v5 =	vld [tilespmem:s23+$0x7720]  }
0x8e: {  	v4 =	vld [tilespmem:s23+$0x7730]  }
0x8f: {  	v3 =	vld [tilespmem:s23+$0x7740]  }
0x90: {  	v2 =	vld [tilespmem:s23+$0x7750]  }
0x91: {  	v1 =	vld [tilespmem:s23+$0x7760]  }
0x92: {  	v0 =	vld [tilespmem:s23+$0x7770]  }
0x93: {  	v12 =	vld [tilespmem:s23+$0x4F00]  }
0x94: {  	v13 =	vld [tilespmem:s23+$0x4F10]  }
0x95: {  	v10 =	vld [tilespmem:s23+$0x4F20]  }
0x96: {  	v9 =	vld [tilespmem:s23+$0x4F30]  }
0x97: {  	v8 =	vld [tilespmem:s23+$0x4F40]  }
0x98: {  	v6 =	vld [tilespmem:s23+$0x4F50];
	v12 =	vadd.f32 v7, v12  }
0x99: {  	s24 =	simm.s32 $0x200;
	v11 =	vadd.f32 v11, v13;
	v7 =	vld [tilespmem:s23+$0x4F60]  }
.LBB2_8:
0x9a: {  	s25 =	sshra.s32 s24, $0x2;
	p0 =	sne.s32 s24, $0x9E00;
	[tilespmem:s23+$0x4F00] =	vst v12;
	v5 =	vadd.f32 v5, v10;
	v10 =	vld [tilespmem:s23+$0x4F70]  }
0x9b: {  	v12 =	vld [tilespmem:s25+$0x7700];
	[tilespmem:s23+$0x4F10] =	vst v11;
	v4 =	vadd.f32 v4, v9  }
0x9c: {  	v11 =	vld [tilespmem:s25+$0x7710];
	[tilespmem:s23+$0x4F20] =	vst v5;
	v3 =	vadd.f32 v3, v8  }
0x9d: {  	v5 =	vld [tilespmem:s25+$0x7720];
	[tilespmem:s23+$0x4F30] =	vst v4;
	v2 =	vadd.f32 v2, v6  }
0x9e: {  	v4 =	vld [tilespmem:s25+$0x7730];
	[tilespmem:s23+$0x4F40] =	vst v3;
	v1 =	vadd.f32 v1, v7  }
0x9f: {  	v3 =	vld [tilespmem:s25+$0x7740];
	[tilespmem:s23+$0x4F50] =	vst v2;
	v0 =	vadd.f32 v0, v10  }
0xa0: {  	v2 =	vld [tilespmem:s25+$0x7750];
	[tilespmem:s23+$0x4F60] =	vst v1  }
0xa1: {  	v1 =	vld [tilespmem:s25+$0x7760];
	[tilespmem:s23+$0x4F70] =	vst v0;
	s23 =	smov.u32 s25  }
0xa2: {  	v0 =	vld [tilespmem:s23+$0x7770]  }
0xa3: {  	v6 =	vld [tilespmem:s23+$0x4F00]  }
0xa4: {  	v7 =	vld [tilespmem:s23+$0x4F10]  }
.Ltmp3:
0xa5: {  	v10 =	vld [tilespmem:s23+$0x4F20];
	(pc) =	sbr.rel @p0 .LBB2_8-.Ltmp3, $4  }
0xa6: {  	v9 =	vld [tilespmem:s23+$0x4F30]  }
0xa7: {  	v8 =	vld [tilespmem:s23+$0x4F40]  }
0xa8: {  	v12 =	vadd.f32 v12, v6;
	v6 =	vld [tilespmem:s23+$0x4F50]  }
0xa9: {  	s24 =	sadd.s32 $0x200, s24;
	v11 =	vadd.f32 v11, v7;
	v7 =	vld [tilespmem:s23+$0x4F60]  }
0xaa: {  	[tilespmem:s23+$0x4F00] =	vst v12;
	v5 =	vadd.f32 v5, v10;
	v63 =	vld [tilespmem:s23+$0x4F70]  }
0xab: {  	[tilespmem:s23+$0x4F10] =	vst v11;
	v4 =	vadd.f32 v4, v9  }
0xac: {  	[tilespmem:s23+$0x4F20] =	vst v5;
	v3 =	vadd.f32 v3, v8  }
0xad: {  	[tilespmem:s23+$0x4F30] =	vst v4;
	v2 =	vadd.f32 v2, v6  }
0xae: {  	[tilespmem:s23+$0x4F40] =	vst v3;
	v1 =	vadd.f32 v1, v7  }
0xaf: {  	s22 =	sadd.s32 $0x1, s22;
	[tilespmem:s23+$0x4F50] =	vst v2;
	v0 =	vadd.f32 v0, v63  }
0xb0: {  	p0 =	sne.s32 s22, s10;
	[tilespmem:s23+$0x4F60] =	vst v1  }
.Ltmp4:
0xb1: {  	[tilespmem:s23+$0x4F70] =	vst v0;
	(pc) =	sbr.rel @p0 .LBB2_1-.Ltmp4, $4  }
0xb2: {  	[hbm4b:s9+s3] =	stream.linear.scatter [tilespmem:s14], [sflag:$0x3], $0x2800, $0x38;
	[tilespmem:$0xEF00] =	vst v63  }
0xb3: {  	_ =	swait.ge [sflag:s20], $0x2800  }
0xb4: {  	[sflag:s20] =	ssyncset.done $0x0  }
0xb5: {  	[sflag:s20] =	ssyncadd.s32 $0xFFFFD800  }
0xb6: {  	_ =	sfence.sel $0x180000  }
0xb7: {  	[bflag:$0x0] =	sbarrier.arrive $0xFFFF  }
0xb8: {  	p0 =	sne.s32 s0, $0x0;
	_ =	strace $0x90000047  }
0xb9: {  	s0 =	sadd.s32 @!p0 $0x100000, s1;
	[bflag:$0x2] =	sbarrier.arrive $0xFFFF  }
0xba: {  	[sflag:s0] =	ssyncadd.tile.s32 @!p0 $0x1;
	_ =	shalt  }
.Lfunc_end2:
_tile_overlayer_lowered:
.L_overlay_start_2:
0xbb: {  	(tag) =	ssettag $0x2  }
0xbc: {  	s0 =	rddreg [dreg:$0x0];
	s2 =	stileid.u32  }
0xbd: {  	s1 =	rddreg [dreg:$0x1];
	p0 =	sne.s32 s2, $0x0  }
0xbe: {  	s3 =	rddreg [dreg:$0x2];
	[bflag:$0x3] =	sbarrier.arrive $0xFFFF;
	s2 =	simm.s32 @!p0 $0x1C05  }
0xbf: {  	[timem:s3], [sflag:s2] =	dma.local @!p0 [hbm:s0], s1  }
0xc0: {  	s0 =	simm.s32 @!p0 $0x5  }
0xc1: {  	_ =	swait.ge @!p0 [sflag:s0], s1  }
0xc2: {  	s1 =	ssub.s32 @!p0 $0x0, s1;
	[sflag:s0] =	ssyncset.done @!p0 $0x0  }
0xc3: {  	[sflag:s0] =	ssyncadd.s32 @!p0 s1  }
0xc4: {  	[bflag:$0x3] =	sbarrier.arrive $0xFFFF  }
0xc5: {  	_ =	shalt  }

</sc_bundles>
